<compile_context>
chip_gen: v7x
topology: tpu7x:2x2x1
jax: 0.10.2.dev20260603
libtpu: 0.0.44.dev20260713+nightly
codegen_flags: <defaults>
</compile_context>

<pallas_src>
import functools

import jax
import jax.numpy as jnp
from jax import lax
from jax.experimental import pallas as pl
from jax.experimental.pallas import tpu as pltpu
from jax.experimental.pallas import tpu_sc as plsc

_NC = 2
_NS = 16
_NW = _NC * _NS
_LANES = 16
_BN_EPS = 1e-5


@functools.lru_cache(maxsize=None)
def _make_segsum(N, D, E, CH):
    EPW = E // _NW
    NCH = EPW // CH
    BASE = (N // _NS) & ~7
    EXTRA = N - _NS * BASE
    ZR = 104
    assert EPW * _NW == E and NCH * CH == EPW
    assert CH % 8 == 0 and CH <= 128 and EPW % 8 == 0
    assert BASE % ZR == 0 and EXTRA % 8 == 0 and EXTRA <= ZR
    mesh = plsc.VectorSubcoreMesh(core_axis_name="c", subcore_axis_name="s")

    @functools.partial(
        pl.kernel,
        out_type=jax.ShapeDtypeStruct((_NC * N, D), jnp.float32),
        mesh=mesh,
        scratch_types=[
            pltpu.VMEM((EPW,), jnp.int32),
            pltpu.VMEM((CH,), jnp.int32),
            pltpu.VMEM((CH, D), jnp.float32),
            pltpu.VMEM((ZR, D), jnp.float32),
            pltpu.VMEM_SHARED((N, D), jnp.float32),
            pltpu.SemaphoreType.DMA,
        ],
    )
    def segsum(h_hbm, src_hbm, dst_hbm, out_hbm, src_v, dst_v, rows_v, zbuf,
               acc, sem):
        c = lax.axis_index("c")
        s = lax.axis_index("s")
        wid = c * _NS + s

        zeros = jnp.zeros((_LANES,), jnp.float32)

        def zrow(i, carry):
            for q in range(D // _LANES):
                zbuf[i, pl.ds(q * _LANES, _LANES)] = zeros
            return carry

        lax.fori_loop(0, ZR, zrow, 0)

        def zacc(t, carry):
            pltpu.sync_copy(zbuf, acc.at[pl.ds(s * BASE + t * ZR, ZR)])
            return carry

        lax.fori_loop(0, BASE // ZR, zacc, 0)

        @pl.when(s == _NS - 1)
        def _():
            pltpu.sync_copy(zbuf.at[pl.ds(0, EXTRA)],
                            acc.at[pl.ds(_NS * BASE, EXTRA)])

        pltpu.sync_copy(src_hbm.at[pl.ds(wid * EPW, EPW)], src_v)
        plsc.subcore_barrier()

        def body(j, carry):
            pltpu.sync_copy(dst_hbm.at[pl.ds(wid * EPW + j * CH, CH)], dst_v)
            pltpu.async_copy(h_hbm.at[src_v.at[pl.ds(j * CH, CH)]], rows_v,
                             sem).wait()
            pltpu.sync_copy(rows_v, acc.at[dst_v], add=True)
            return carry

        lax.fori_loop(0, NCH, body, 0)
        plsc.subcore_barrier()

        pltpu.sync_copy(acc.at[pl.ds(s * BASE, BASE)],
                        out_hbm.at[pl.ds(c * N + s * BASE, BASE)])

        @pl.when(s == _NS - 1)
        def _():
            pltpu.sync_copy(acc.at[pl.ds(_NS * BASE, EXTRA)],
                            out_hbm.at[pl.ds(c * N + _NS * BASE, EXTRA)])

    return segsum


def _gin_dense(x, parts, W, b, BM):
    N, D = x.shape
    NB = N // BM

    def body(x_ref, pa_ref, pb_ref, w_ref, b_ref, o_ref):
        h = x_ref[...] + pa_ref[...] + pb_ref[...]
        z = jnp.dot(h, w_ref[...], preferred_element_type=jnp.float32)
        o_ref[...] = jnp.maximum(z + b_ref[...], 0.0)

    return pl.pallas_call(
        body,
        grid=(NB,),
        in_specs=[
            pl.BlockSpec((BM, D), lambda i: (i, 0)),
            pl.BlockSpec((BM, D), lambda i: (i, 0)),
            pl.BlockSpec((BM, D), lambda i: (i + NB, 0)),
            pl.BlockSpec((D, D), lambda i: (0, 0)),
            pl.BlockSpec((1, D), lambda i: (0, 0)),
        ],
        out_specs=pl.BlockSpec((BM, D), lambda i: (i, 0)),
        out_shape=jax.ShapeDtypeStruct((N, D), jnp.float32),
    )(x, parts, parts, W, b.reshape(1, D))


def _gin2_prompt_mlp1(h1, parts, W2, b2, prompt, Wp, bp, Wm1h, Wm1p, bm1, BM):
    N, D = h1.shape
    P = prompt.shape[1]
    H1 = Wm1h.shape[1]
    NB = N // BM

    def body(h_ref, pa_ref, pb_ref, w2_ref, b2_ref, pr_ref, wp_ref, bp_ref,
             wh_ref, wpp_ref, bm_ref, z_ref, st_ref):
        i = pl.program_id(0)
        h = h_ref[...] + pa_ref[...] + pb_ref[...]
        h2 = jnp.dot(h, w2_ref[...], preferred_element_type=jnp.float32)
        h2 = jnp.maximum(h2 + b2_ref[...], 0.0)
        pr = jnp.dot(pr_ref[...], wp_ref[...],
                     preferred_element_type=jnp.float32) + bp_ref[...]
        z = (jnp.dot(h2, wh_ref[...], preferred_element_type=jnp.float32)
             + jnp.dot(pr, wpp_ref[...], preferred_element_type=jnp.float32)
             + bm_ref[...])
        z_ref[...] = z
        blk = jnp.concatenate(
            [jnp.sum(z, axis=0)[None, :], jnp.sum(z * z, axis=0)[None, :]], 0)

        @pl.when(i == 0)
        def _():
            st_ref[...] = jnp.zeros_like(st_ref)

        st_ref[...] += blk

    return pl.pallas_call(
        body,
        grid=(NB,),
        in_specs=[
            pl.BlockSpec((BM, D), lambda i: (i, 0)),
            pl.BlockSpec((BM, D), lambda i: (i, 0)),
            pl.BlockSpec((BM, D), lambda i: (i + NB, 0)),
            pl.BlockSpec((D, D), lambda i: (0, 0)),
            pl.BlockSpec((1, D), lambda i: (0, 0)),
            pl.BlockSpec((BM, P), lambda i: (i, 0)),
            pl.BlockSpec((P, P), lambda i: (0, 0)),
            pl.BlockSpec((1, P), lambda i: (0, 0)),
            pl.BlockSpec((D, H1), lambda i: (0, 0)),
            pl.BlockSpec((P, H1), lambda i: (0, 0)),
            pl.BlockSpec((1, H1), lambda i: (0, 0)),
        ],
        out_specs=[
            pl.BlockSpec((BM, H1), lambda i: (i, 0)),
            pl.BlockSpec((2, H1), lambda i: (0, 0)),
        ],
        out_shape=[
            jax.ShapeDtypeStruct((N, H1), jnp.float32),
            jax.ShapeDtypeStruct((2, H1), jnp.float32),
        ],
    )(h1, parts, parts, W2, b2.reshape(1, D), prompt, Wp, bp.reshape(1, P),
      Wm1h, Wm1p, bm1.reshape(1, H1))


def _bn_relu_matmul(z, st, g, be, W, b, BM, with_stats):
    N, H = z.shape
    HO = W.shape[1]
    NB = N // BM

    def body(z_ref, st_ref, g_ref, be_ref, w_ref, b_ref, *out_refs):
        i = pl.program_id(0)
        m = st_ref[0, :] / N
        v = st_ref[1, :] / N - m * m
        r = lax.rsqrt(v + _BN_EPS)
        a = (z_ref[...] - m[None, :]) * (r * g_ref[0, :])[None, :] + be_ref[...]
        a = jnp.maximum(a, 0.0)
        o = jnp.dot(a, w_ref[...], preferred_element_type=jnp.float32)
        o = o + b_ref[...]
        out_refs[0][...] = o
        if with_stats:
            blk = jnp.concatenate(
                [jnp.sum(o, axis=0)[None, :], jnp.sum(o * o, axis=0)[None, :]],
                0)

            @pl.when(i == 0)
            def _():
                out_refs[1][...] = jnp.zeros_like(out_refs[1])

            out_refs[1][...] += blk

    out_specs = [pl.BlockSpec((BM, HO), lambda i: (i, 0))]
    out_shape = [jax.ShapeDtypeStruct((N, HO), jnp.float32)]
    if with_stats:
        out_specs.append(pl.BlockSpec((2, HO), lambda i: (0, 0)))
        out_shape.append(jax.ShapeDtypeStruct((2, HO), jnp.float32))

    res = pl.pallas_call(
        body,
        grid=(NB,),
        in_specs=[
            pl.BlockSpec((BM, H), lambda i: (i, 0)),
            pl.BlockSpec((2, H), lambda i: (0, 0)),
            pl.BlockSpec((1, H), lambda i: (0, 0)),
            pl.BlockSpec((1, H), lambda i: (0, 0)),
            pl.BlockSpec((H, HO), lambda i: (0, 0)),
            pl.BlockSpec((1, HO), lambda i: (0, 0)),
        ],
        out_specs=out_specs,
        out_shape=out_shape,
    )(z, st, g.reshape(1, H), be.reshape(1, H), W, b.reshape(1, HO))
    return res if with_stats else res[0]


def kernel(x, edge_index, prompt, W1, b1, W2, b2, Wp, bp,
           Wm1, bm1, g1, be1, Wm2, bm2, g2, be2, Wout, bout):
    N, D = x.shape
    E = edge_index.shape[1]
    CH = 80
    BM = 2000

    src = edge_index[0].astype(jnp.int32)
    dst = edge_index[1].astype(jnp.int32)

    segsum = _make_segsum(N, D, E, CH)

    parts1 = segsum(x, src, dst)
    h1 = _gin_dense(x, parts1, W1, b1, BM)
    parts2 = segsum(h1, src, dst)
    z1, st1 = _gin2_prompt_mlp1(h1, parts2, W2, b2, prompt, Wp, bp,
                                Wm1[:D], Wm1[D:], bm1, BM)
    z2, st2 = _bn_relu_matmul(z1, st1, g1, be1, Wm2, bm2, BM, True)
    out = _bn_relu_matmul(z2, st2, g2, be2, Wout, bout, BM, False)
    return out

# --- scband reference (transcript-rebuilt; emitter-appended) ---
"""Pipeline reference for scband-crystal-xasv1-28097676051004 (READ-ONLY COPY).

The authoritative reference and input builder live on the scoring server;
editing this copy changes nothing except your own understanding.
"""

import jax, jax.numpy as jnp
import numpy as np

N = 10000
E = 320000
D = 128
P = 2
H1 = 1024
H2 = 512
OUT = 100


def setup_inputs(seed: int = 0) -> dict:
    key = jax.random.key(seed)
    ks = jax.random.split(key, 20)
    x = jax.random.normal(ks[0], (N, D), dtype=jnp.float32)
    edge_index = jax.random.randint(ks[1], (2, E), 0, N)
    prompt = jax.random.normal(ks[2], (N, P), dtype=jnp.float32)
    # GIN apply_func linear weights (feat_dim=128 -> 128 -> 128)
    W1 = jax.random.normal(ks[3], (D, D), dtype=jnp.float32) / np.sqrt(D)
    b1 = jnp.zeros((D,), dtype=jnp.float32)
    W2 = jax.random.normal(ks[4], (D, D), dtype=jnp.float32) / np.sqrt(D)
    b2 = jnp.zeros((D,), dtype=jnp.float32)
    # prompt_nn: Linear(prompt_dim, prompt_dim)
    Wp = jax.random.normal(ks[5], (P, P), dtype=jnp.float32) / np.sqrt(P)
    bp = jnp.zeros((P,), dtype=jnp.float32)
    # XANES MLPBlock: (gnn_out + prompt) 130 -> 1024 -> 512 -> 100, mode NAD (BN + ReLU)
    Wm1 = jax.random.normal(ks[6], (D + P, H1), dtype=jnp.float32) / np.sqrt(D + P)
    bm1 = jnp.zeros((H1,), dtype=jnp.float32)
    g1 = jnp.ones((H1,), dtype=jnp.float32)
    be1 = jnp.zeros((H1,), dtype=jnp.float32)
    Wm2 = jax.random.normal(ks[7], (H1, H2), dtype=jnp.float32) / np.sqrt(H1)
    bm2 = jnp.zeros((H2,), dtype=jnp.float32)
    g2 = jnp.ones((H2,), dtype=jnp.float32)
    be2 = jnp.zeros((H2,), dtype=jnp.float32)
    Wout = jax.random.normal(ks[8], (H2, OUT), dtype=jnp.float32) / np.sqrt(H2)
    bout = jnp.zeros((OUT,), dtype=jnp.float32)
    return {"x": x, "edge_index": edge_index, "prompt": prompt,
            "W1": W1, "b1": b1, "W2": W2, "b2": b2, "Wp": Wp, "bp": bp,
            "Wm1": Wm1, "bm1": bm1, "g1": g1, "be1": be1,
            "Wm2": Wm2, "bm2": bm2, "g2": g2, "be2": be2,
            "Wout": Wout, "bout": bout}


def _gin_layer(h, src, dst, W, b):
    # GINConv with sum aggregator, eps=0: rst = (1+eps)*h + sum_{j in N(i)} h_j, then linear + relu
    msg = h[src]
    agg = jax.ops.segment_sum(msg, dst, num_segments=N)
    rst = h + agg
    rst = rst @ W + b
    return jax.nn.relu(rst)


def _bn(z, g, b):
    m = jnp.mean(z, axis=0)
    v = jnp.var(z, axis=0)
    return (z - m) / jnp.sqrt(v + 1e-5) * g + b


def reference(x, edge_index, prompt, W1, b1, W2, b2, Wp, bp,
              Wm1, bm1, g1, be1, Wm2, bm2, g2, be2, Wout, bout):
    src = edge_index[0]
    dst = edge_index[1]
    h = _gin_layer(x, src, dst, W1, b1)
    h = _gin_layer(h, src, dst, W2, b2)
    p = prompt @ Wp + bp
    h = jnp.concatenate([h, p], axis=1)
    # MLPBlock, mode='NAD': Linear -> BatchNorm -> ReLU (dropout=0), final Linear to 100 (XANES)
    h = jax.nn.relu(_bn(h @ Wm1 + bm1, g1, be1))
    h = jax.nn.relu(_bn(h @ Wm2 + bm2, g2, be2))
    out = h @ Wout + bout
    return out

if __name__ == "__main__":
    import jax
    _d = setup_inputs()
    print(jax.jit(kernel)(*tuple(_d.values())))

</pallas_src>

<mosaic_0001>
#map = affine_map<(d0, d1) -> (0, 0)>
#map1 = affine_map<(d0, d1) -> (0)>
module attributes {stable_mosaic.version = 14 : i64} {
  func.func @segsum(%arg0: i32, %arg1: i32, %arg2: memref<10000x128xf32, #tpu.memory_space<hbm>>, %arg3: memref<320000xi32, #tpu.memory_space<hbm>>, %arg4: memref<320000xi32, #tpu.memory_space<hbm>>, %arg5: memref<20000x128xf32, #tpu.memory_space<hbm>>, %arg6: memref<10000xi32, #tpu.memory_space<vmem>>, %arg7: memref<80xi32, #tpu.memory_space<vmem>>, %arg8: memref<80x128xf32, #tpu.memory_space<vmem>>, %arg9: memref<104x128xf32, #tpu.memory_space<vmem>>, %arg10: memref<10000x128xf32, #tpu.memory_space<vmem_shared>>, %arg11: memref<!tpu.dma_semaphore, #tpu.memory_space<semaphore_mem>>) attributes {dimension_semantics = [#tpu.dimension_semantics<core_parallel>, #tpu.dimension_semantics<subcore_parallel>], iteration_bounds = array<i64: 2, 16>, scalar_prefetch = 0 : i64, scratch_operands = 6 : i64, tpu.core_type = #tpu.core_type<sc_vector_subcore>, window_params = [{transform_indices = #map}, {transform_indices = #map1}, {transform_indices = #map1}, {transform_indices = #map}]} {
    %mul3A = arith.constant 16 : i32
    %mul3A_0 = arith.muli %arg0, %mul3A : i32
    %add3A = arith.addi %mul3A_0, %arg1 : i32
    %broadcast_in_dim3A = arith.constant 0.000000e+00 : f32
    %broadcast_in_dim3A_1 = vector.broadcast %broadcast_in_dim3A : f32 to vector<16xf32>
    %scan3A = arith.constant 0 : i32
    %scan3A_2 = arith.constant 0 : i32
    %scan3A_3 = arith.constant 104 : i32
    %scan3A_4 = arith.addi %scan3A_2, %scan3A_3 : i32
    %scan3A_5 = arith.constant 1 : i32
    scf.for %scan3A_36 = %scan3A_2 to %scan3A_4 step %scan3A_5  : i32 {
      %swap3A = arith.index_cast %scan3A_36 : i32 to index
      %swap3A_37 = arith.constant 0 : index
      %swap3A_38 = tpu.vector_load %arg9[%swap3A, %swap3A_37] {strides = array<i32>} : memref<104x128xf32, #tpu.memory_space<vmem>>, vector<1x16xf32>,
      %swap3A_39 = vector.shape_cast %swap3A_38 : vector<1x16xf32> to vector<16xf32>
      %swap3A_40 = vector.shape_cast %broadcast_in_dim3A_1 : vector<16xf32> to vector<1x16xf32>
      tpu.vector_store %arg9[%swap3A, %swap3A_37], %swap3A_40 {strides = array<i32>} : memref<104x128xf32, #tpu.memory_space<vmem>>, vector<1x16xf32>,
      %swap3A_41 = arith.index_cast %scan3A_36 : i32 to index
      %swap3A_42 = arith.constant 16 : index
      %swap3A_43 = tpu.vector_load %arg9[%swap3A_41, %swap3A_42] {strides = array<i32>} : memref<104x128xf32, #tpu.memory_space<vmem>>, vector<1x16xf32>,
      %swap3A_44 = vector.shape_cast %swap3A_43 : vector<1x16xf32> to vector<16xf32>
      %swap3A_45 = vector.shape_cast %broadcast_in_dim3A_1 : vector<16xf32> to vector<1x16xf32>
      tpu.vector_store %arg9[%swap3A_41, %swap3A_42], %swap3A_45 {strides = array<i32>} : memref<104x128xf32, #tpu.memory_space<vmem>>, vector<1x16xf32>,
      %swap3A_46 = arith.index_cast %scan3A_36 : i32 to index
      %swap3A_47 = arith.constant 32 : index
      %swap3A_48 = tpu.vector_load %arg9[%swap3A_46, %swap3A_47] {strides = array<i32>} : memref<104x128xf32, #tpu.memory_space<vmem>>, vector<1x16xf32>,
      %swap3A_49 = vector.shape_cast %swap3A_48 : vector<1x16xf32> to vector<16xf32>
      %swap3A_50 = vector.shape_cast %broadcast_in_dim3A_1 : vector<16xf32> to vector<1x16xf32>
      tpu.vector_store %arg9[%swap3A_46, %swap3A_47], %swap3A_50 {strides = array<i32>} : memref<104x128xf32, #tpu.memory_space<vmem>>, vector<1x16xf32>,
      %swap3A_51 = arith.index_cast %scan3A_36 : i32 to index
      %swap3A_52 = arith.constant 48 : index
      %swap3A_53 = tpu.vector_load %arg9[%swap3A_51, %swap3A_52] {strides = array<i32>} : memref<104x128xf32, #tpu.memory_space<vmem>>, vector<1x16xf32>,
      %swap3A_54 = vector.shape_cast %swap3A_53 : vector<1x16xf32> to vector<16xf32>
      %swap3A_55 = vector.shape_cast %broadcast_in_dim3A_1 : vector<16xf32> to vector<1x16xf32>
      tpu.vector_store %arg9[%swap3A_51, %swap3A_52], %swap3A_55 {strides = array<i32>} : memref<104x128xf32, #tpu.memory_space<vmem>>, vector<1x16xf32>,
      %swap3A_56 = arith.index_cast %scan3A_36 : i32 to index
      %swap3A_57 = arith.constant 64 : index
      %swap3A_58 = tpu.vector_load %arg9[%swap3A_56, %swap3A_57] {strides = array<i32>} : memref<104x128xf32, #tpu.memory_space<vmem>>, vector<1x16xf32>,
      %swap3A_59 = vector.shape_cast %swap3A_58 : vector<1x16xf32> to vector<16xf32>
      %swap3A_60 = vector.shape_cast %broadcast_in_dim3A_1 : vector<16xf32> to vector<1x16xf32>
      tpu.vector_store %arg9[%swap3A_56, %swap3A_57], %swap3A_60 {strides = array<i32>} : memref<104x128xf32, #tpu.memory_space<vmem>>, vector<1x16xf32>,
      %swap3A_61 = arith.index_cast %scan3A_36 : i32 to index
      %swap3A_62 = arith.constant 80 : index
      %swap3A_63 = tpu.vector_load %arg9[%swap3A_61, %swap3A_62] {strides = array<i32>} : memref<104x128xf32, #tpu.memory_space<vmem>>, vector<1x16xf32>,
      %swap3A_64 = vector.shape_cast %swap3A_63 : vector<1x16xf32> to vector<16xf32>
      %swap3A_65 = vector.shape_cast %broadcast_in_dim3A_1 : vector<16xf32> to vector<1x16xf32>
      tpu.vector_store %arg9[%swap3A_61, %swap3A_62], %swap3A_65 {strides = array<i32>} : memref<104x128xf32, #tpu.memory_space<vmem>>, vector<1x16xf32>,
      %swap3A_66 = arith.index_cast %scan3A_36 : i32 to index
      %swap3A_67 = arith.constant 96 : index
      %swap3A_68 = tpu.vector_load %arg9[%swap3A_66, %swap3A_67] {strides = array<i32>} : memref<104x128xf32, #tpu.memory_space<vmem>>, vector<1x16xf32>,
      %swap3A_69 = vector.shape_cast %swap3A_68 : vector<1x16xf32> to vector<16xf32>
      %swap3A_70 = vector.shape_cast %broadcast_in_dim3A_1 : vector<16xf32> to vector<1x16xf32>
      tpu.vector_store %arg9[%swap3A_66, %swap3A_67], %swap3A_70 {strides = array<i32>} : memref<104x128xf32, #tpu.memory_space<vmem>>, vector<1x16xf32>,
      %swap3A_71 = arith.index_cast %scan3A_36 : i32 to index
      %swap3A_72 = arith.constant 112 : index
      %swap3A_73 = tpu.vector_load %arg9[%swap3A_71, %swap3A_72] {strides = array<i32>} : memref<104x128xf32, #tpu.memory_space<vmem>>, vector<1x16xf32>,
      %swap3A_74 = vector.shape_cast %swap3A_73 : vector<1x16xf32> to vector<16xf32>
      %swap3A_75 = vector.shape_cast %broadcast_in_dim3A_1 : vector<16xf32> to vector<1x16xf32>
      tpu.vector_store %arg9[%swap3A_71, %swap3A_72], %swap3A_75 {strides = array<i32>} : memref<104x128xf32, #tpu.memory_space<vmem>>, vector<1x16xf32>,
    }
    %scan3A_6 = arith.constant 104 : i32
    %scan3A_7 = arith.constant 0 : i32
    %scan3A_8 = arith.constant 0 : i32
    %scan3A_9 = arith.constant 6 : i32
    %scan3A_10 = arith.addi %scan3A_8, %scan3A_9 : i32
    %scan3A_11 = arith.constant 1 : i32
    scf.for %scan3A_36 = %scan3A_8 to %scan3A_10 step %scan3A_11  : i32 {
      %mul3A_37 = arith.constant 624 : i32
      %mul3A_38 = arith.muli %arg1, %mul3A_37 : i32
      %mul3A_39 = arith.constant 104 : i32
      %mul3A_40 = arith.muli %scan3A_36, %mul3A_39 : i32
      %add3A_41 = arith.addi %mul3A_38, %mul3A_40 : i32
      "tpu.region"() ({
        %run_scoped3A = tpu.sem_alloc : memref<!tpu.dma_semaphore, #tpu.memory_space<semaphore_mem>>
        %dma_start3A = arith.constant 0 : i32
        %dma_start3A_42 = tpu.memref_slice %arg10[%add3A_41, %dma_start3A] : memref<10000x128xf32, #tpu.memory_space<vmem_shared>> -> memref<104x128xf32, #tpu.memory_space<vmem_shared>>
        %dma_start3A_43 = arith.constant 0 : i32
        %dma_start3A_44 = tpu.memref_slice %arg10[%add3A_41, %dma_start3A_43] : memref<10000x128xf32, #tpu.memory_space<vmem_shared>> -> memref<104x128xf32, #tpu.memory_space<vmem_shared>>
        tpu.enqueue_dma source(%arg9 : memref<104x128xf32, #tpu.memory_space<vmem>>) target(%dma_start3A_44 : memref<104x128xf32, #tpu.memory_space<vmem_shared>>) target_semaphore(%run_scoped3A : memref<!tpu.dma_semaphore, #tpu.memory_space<semaphore_mem>>)
        %dma_wait3A = arith.constant 0 : i32
        %dma_wait3A_45 = tpu.memref_slice %arg10[%add3A_41, %dma_wait3A] : memref<10000x128xf32, #tpu.memory_space<vmem_shared>> -> memref<104x128xf32, #tpu.memory_space<vmem_shared>>
        %dma_wait3A_46 = arith.constant 0 : i32
        %dma_wait3A_47 = tpu.memref_slice %arg10[%add3A_41, %dma_wait3A_46] : memref<10000x128xf32, #tpu.memory_space<vmem_shared>> -> memref<104x128xf32, #tpu.memory_space<vmem_shared>>
        tpu.wait_dma2 semaphore(%run_scoped3A : memref<!tpu.dma_semaphore, #tpu.memory_space<semaphore_mem>>) src(%arg9 : memref<104x128xf32, #tpu.memory_space<vmem>>) dst(%dma_wait3A_47 : memref<104x128xf32, #tpu.memory_space<vmem_shared>>)
        tpu.yield
      }) : () -> ()
    }
    %scan3A_12 = arith.constant 6 : i32
    %eq3A = arith.constant 15 : i32
    %eq3A_13 = arith.cmpi eq, %arg1, %eq3A : i32
    %convert_element_type3A = arith.extui %eq3A_13 : i1 to i32
    %cond3A = arith.constant 0 : i32
    %cond3A_14 = arith.cmpi ne, %convert_element_type3A, %cond3A : i32
    scf.if %cond3A_14 {
      "tpu.region"() ({
        %run_scoped3A = tpu.sem_alloc : memref<!tpu.dma_semaphore, #tpu.memory_space<semaphore_mem>>
        %dma_start3A = arith.constant 0 : i32
        %dma_start3A_36 = arith.constant 0 : i32
        %dma_start3A_37 = tpu.memref_slice %arg9[%dma_start3A, %dma_start3A_36] : memref<104x128xf32, #tpu.memory_space<vmem>> -> memref<16x128xf32, #tpu.memory_space<vmem>>
        %dma_start3A_38 = arith.constant 9984 : i32
        %dma_start3A_39 = arith.constant 0 : i32
        %dma_start3A_40 = tpu.memref_slice %arg10[%dma_start3A_38, %dma_start3A_39] : memref<10000x128xf32, #tpu.memory_space<vmem_shared>> -> memref<16x128xf32, #tpu.memory_space<vmem_shared>>
        %dma_start3A_41 = arith.constant 9984 : i32
        %dma_start3A_42 = arith.constant 0 : i32
        %dma_start3A_43 = tpu.memref_slice %arg10[%dma_start3A_41, %dma_start3A_42] : memref<10000x128xf32, #tpu.memory_space<vmem_shared>> -> memref<16x128xf32, #tpu.memory_space<vmem_shared>>
        %dma_start3A_44 = arith.constant 0 : i32
        %dma_start3A_45 = arith.constant 0 : i32
        %dma_start3A_46 = tpu.memref_slice %arg9[%dma_start3A_44, %dma_start3A_45] : memref<104x128xf32, #tpu.memory_space<vmem>> -> memref<16x128xf32, #tpu.memory_space<vmem>>
        tpu.enqueue_dma source(%dma_start3A_46 : memref<16x128xf32, #tpu.memory_space<vmem>>) target(%dma_start3A_43 : memref<16x128xf32, #tpu.memory_space<vmem_shared>>) target_semaphore(%run_scoped3A : memref<!tpu.dma_semaphore, #tpu.memory_space<semaphore_mem>>)
        %dma_wait3A = arith.constant 0 : i32
        %dma_wait3A_47 = arith.constant 0 : i32
        %dma_wait3A_48 = tpu.memref_slice %arg9[%dma_wait3A, %dma_wait3A_47] : memref<104x128xf32, #tpu.memory_space<vmem>> -> memref<16x128xf32, #tpu.memory_space<vmem>>
        %dma_wait3A_49 = arith.constant 9984 : i32
        %dma_wait3A_50 = arith.constant 0 : i32
        %dma_wait3A_51 = tpu.memref_slice %arg10[%dma_wait3A_49, %dma_wait3A_50] : memref<10000x128xf32, #tpu.memory_space<vmem_shared>> -> memref<16x128xf32, #tpu.memory_space<vmem_shared>>
        %dma_wait3A_52 = arith.constant 9984 : i32
        %dma_wait3A_53 = arith.constant 0 : i32
        %dma_wait3A_54 = tpu.memref_slice %arg10[%dma_wait3A_52, %dma_wait3A_53] : memref<10000x128xf32, #tpu.memory_space<vmem_shared>> -> memref<16x128xf32, #tpu.memory_space<vmem_shared>>
        %dma_wait3A_55 = arith.constant 0 : i32
        %dma_wait3A_56 = arith.constant 0 : i32
        %dma_wait3A_57 = tpu.memref_slice %arg9[%dma_wait3A_55, %dma_wait3A_56] : memref<104x128xf32, #tpu.memory_space<vmem>> -> memref<16x128xf32, #tpu.memory_space<vmem>>
        tpu.wait_dma2 semaphore(%run_scoped3A : memref<!tpu.dma_semaphore, #tpu.memory_space<semaphore_mem>>) src(%dma_wait3A_57 : memref<16x128xf32, #tpu.memory_space<vmem>>) dst(%dma_wait3A_54 : memref<16x128xf32, #tpu.memory_space<vmem_shared>>)
        tpu.yield
      }) : () -> ()
    } else {
    }
    %mul3A_15 = arith.constant 10000 : i32
    %mul3A_16 = arith.muli %add3A, %mul3A_15 : i32
    "tpu.region"() ({
      %run_scoped3A = tpu.sem_alloc : memref<!tpu.dma_semaphore, #tpu.memory_space<semaphore_mem>>
      %dma_start3A = tpu.memref_slice %arg3[%mul3A_16] : memref<320000xi32, #tpu.memory_space<hbm>> -> memref<10000xi32, #tpu.memory_space<hbm>>
      %dma_start3A_36 = tpu.memref_slice %arg3[%mul3A_16] : memref<320000xi32, #tpu.memory_space<hbm>> -> memref<10000xi32, #tpu.memory_space<hbm>>
      tpu.enqueue_dma source(%dma_start3A_36 : memref<10000xi32, #tpu.memory_space<hbm>>) target(%arg6 : memref<10000xi32, #tpu.memory_space<vmem>>) target_semaphore(%run_scoped3A : memref<!tpu.dma_semaphore, #tpu.memory_space<semaphore_mem>>)
      %dma_wait3A = tpu.memref_slice %arg3[%mul3A_16] : memref<320000xi32, #tpu.memory_space<hbm>> -> memref<10000xi32, #tpu.memory_space<hbm>>
      %dma_wait3A_37 = tpu.memref_slice %arg3[%mul3A_16] : memref<320000xi32, #tpu.memory_space<hbm>> -> memref<10000xi32, #tpu.memory_space<hbm>>
      tpu.wait_dma2 semaphore(%run_scoped3A : memref<!tpu.dma_semaphore, #tpu.memory_space<semaphore_mem>>) src(%dma_wait3A_37 : memref<10000xi32, #tpu.memory_space<hbm>>) dst(%arg6 : memref<10000xi32, #tpu.memory_space<vmem>>)
      tpu.yield
    }) : () -> ()
    %barrier3A = arith.constant 0 : index
    tpu.barrier barrier_id(%barrier3A)
    %scan3A_17 = arith.constant 0 : i32
    %scan3A_18 = arith.constant 0 : i32
    %scan3A_19 = arith.constant 125 : i32
    %scan3A_20 = arith.addi %scan3A_18, %scan3A_19 : i32
    %scan3A_21 = arith.constant 1 : i32
    scf.for %scan3A_36 = %scan3A_18 to %scan3A_20 step %scan3A_21  : i32 {
      %mul3A_37 = arith.constant 10000 : i32
      %mul3A_38 = arith.muli %add3A, %mul3A_37 : i32
      %mul3A_39 = arith.constant 80 : i32
      %mul3A_40 = arith.muli %scan3A_36, %mul3A_39 : i32
      %add3A_41 = arith.addi %mul3A_38, %mul3A_40 : i32
      "tpu.region"() ({
        %run_scoped3A = tpu.sem_alloc : memref<!tpu.dma_semaphore, #tpu.memory_space<semaphore_mem>>
        %dma_start3A_50 = tpu.memref_slice %arg4[%add3A_41] : memref<320000xi32, #tpu.memory_space<hbm>> -> memref<80xi32, #tpu.memory_space<hbm>>
        %dma_start3A_51 = tpu.memref_slice %arg4[%add3A_41] : memref<320000xi32, #tpu.memory_space<hbm>> -> memref<80xi32, #tpu.memory_space<hbm>>
        tpu.enqueue_dma source(%dma_start3A_51 : memref<80xi32, #tpu.memory_space<hbm>>) target(%arg7 : memref<80xi32, #tpu.memory_space<vmem>>) target_semaphore(%run_scoped3A : memref<!tpu.dma_semaphore, #tpu.memory_space<semaphore_mem>>)
        %dma_wait3A_52 = tpu.memref_slice %arg4[%add3A_41] : memref<320000xi32, #tpu.memory_space<hbm>> -> memref<80xi32, #tpu.memory_space<hbm>>
        %dma_wait3A_53 = tpu.memref_slice %arg4[%add3A_41] : memref<320000xi32, #tpu.memory_space<hbm>> -> memref<80xi32, #tpu.memory_space<hbm>>
        tpu.wait_dma2 semaphore(%run_scoped3A : memref<!tpu.dma_semaphore, #tpu.memory_space<semaphore_mem>>) src(%dma_wait3A_53 : memref<80xi32, #tpu.memory_space<hbm>>) dst(%arg7 : memref<80xi32, #tpu.memory_space<vmem>>)
        tpu.yield
      }) : () -> ()
      %mul3A_42 = arith.constant 80 : i32
      %mul3A_43 = arith.muli %scan3A_36, %mul3A_42 : i32
      %dma_start3A = tpu.memref_slice %arg6[%mul3A_43] : memref<10000xi32, #tpu.memory_space<vmem>> -> memref<80xi32, #tpu.memory_space<vmem>>
      %dma_start3A_44 = arith.constant 0 : i32
      %dma_start3A_45 = arith.constant 0 : i32
      %dma_start3A_46 = tpu.memref_slice %arg2[%dma_start3A_44, %dma_start3A_45] : memref<10000x128xf32, #tpu.memory_space<hbm>> -> memref<10000x128xf32, #tpu.memory_space<hbm>>
      tpu.enqueue_indirect_dma source(%dma_start3A_46 : memref<10000x128xf32, #tpu.memory_space<hbm>>) target(%arg8 : memref<80x128xf32, #tpu.memory_space<vmem>>) offsets(%dma_start3A : memref<80xi32, #tpu.memory_space<vmem>>) semaphore(%arg11 : memref<!tpu.dma_semaphore, #tpu.memory_space<semaphore_mem>>)
      %dma_wait3A = tpu.memref_slice %arg6[%mul3A_43] : memref<10000xi32, #tpu.memory_space<vmem>> -> memref<80xi32, #tpu.memory_space<vmem>>
      %dma_wait3A_47 = arith.constant 0 : i32
      %dma_wait3A_48 = arith.constant 0 : i32
      %dma_wait3A_49 = tpu.memref_slice %arg2[%dma_wait3A_47, %dma_wait3A_48] : memref<10000x128xf32, #tpu.memory_space<hbm>> -> memref<10000x128xf32, #tpu.memory_space<hbm>>
      tpu.wait_indirect_dma semaphore(%arg11 : memref<!tpu.dma_semaphore, #tpu.memory_space<semaphore_mem>>) src(%dma_wait3A_49 : memref<10000x128xf32, #tpu.memory_space<hbm>>) dst(%arg8 : memref<80x128xf32, #tpu.memory_space<vmem>>)
      "tpu.region"() ({
        %run_scoped3A = tpu.sem_alloc : memref<!tpu.dma_semaphore, #tpu.memory_space<semaphore_mem>>
        %dma_start3A_50 = arith.constant 0 : i32
        %dma_start3A_51 = arith.constant 0 : i32
        %dma_start3A_52 = tpu.memref_slice %arg10[%dma_start3A_50, %dma_start3A_51] : memref<10000x128xf32, #tpu.memory_space<vmem_shared>> -> memref<10000x128xf32, #tpu.memory_space<vmem_shared>>
        tpu.enqueue_indirect_dma source(%arg8 : memref<80x128xf32, #tpu.memory_space<vmem>>) target(%dma_start3A_52 : memref<10000x128xf32, #tpu.memory_space<vmem_shared>>) offsets(%arg7 : memref<80xi32, #tpu.memory_space<vmem>>) semaphore(%run_scoped3A : memref<!tpu.dma_semaphore, #tpu.memory_space<semaphore_mem>>) {add = true}
        %dma_wait3A_53 = arith.constant 0 : i32
        %dma_wait3A_54 = arith.constant 0 : i32
        %dma_wait3A_55 = tpu.memref_slice %arg10[%dma_wait3A_53, %dma_wait3A_54] : memref<10000x128xf32, #tpu.memory_space<vmem_shared>> -> memref<10000x128xf32, #tpu.memory_space<vmem_shared>>
        tpu.wait_indirect_dma semaphore(%run_scoped3A : memref<!tpu.dma_semaphore, #tpu.memory_space<semaphore_mem>>) src(%arg8 : memref<80x128xf32, #tpu.memory_space<vmem>>) dst(%dma_wait3A_55 : memref<10000x128xf32, #tpu.memory_space<vmem_shared>>)
        tpu.yield
      }) : () -> ()
    }
    %scan3A_22 = arith.constant 125 : i32
    %barrier3A_23 = arith.constant 0 : index
    tpu.barrier barrier_id(%barrier3A_23)
    %mul3A_24 = arith.constant 624 : i32
    %mul3A_25 = arith.muli %arg1, %mul3A_24 : i32
    %mul3A_26 = arith.constant 10000 : i32
    %mul3A_27 = arith.muli %arg0, %mul3A_26 : i32
    %mul3A_28 = arith.constant 624 : i32
    %mul3A_29 = arith.muli %arg1, %mul3A_28 : i32
    %add3A_30 = arith.addi %mul3A_27, %mul3A_29 : i32
    "tpu.region"() ({
      %run_scoped3A = tpu.sem_alloc : memref<!tpu.dma_semaphore, #tpu.memory_space<semaphore_mem>>
      %dma_start3A = arith.constant 0 : i32
      %dma_start3A_36 = tpu.memref_slice %arg5[%add3A_30, %dma_start3A] : memref<20000x128xf32, #tpu.memory_space<hbm>> -> memref<624x128xf32, #tpu.memory_space<hbm>>
      %dma_start3A_37 = arith.constant 0 : i32
      %dma_start3A_38 = tpu.memref_slice %arg10[%mul3A_25, %dma_start3A_37] : memref<10000x128xf32, #tpu.memory_space<vmem_shared>> -> memref<624x128xf32, #tpu.memory_space<vmem_shared>>
      tpu.enqueue_dma source(%dma_start3A_38 : memref<624x128xf32, #tpu.memory_space<vmem_shared>>) target(%dma_start3A_36 : memref<624x128xf32, #tpu.memory_space<hbm>>) target_semaphore(%run_scoped3A : memref<!tpu.dma_semaphore, #tpu.memory_space<semaphore_mem>>)
      %dma_wait3A = arith.constant 0 : i32
      %dma_wait3A_39 = tpu.memref_slice %arg5[%add3A_30, %dma_wait3A] : memref<20000x128xf32, #tpu.memory_space<hbm>> -> memref<624x128xf32, #tpu.memory_space<hbm>>
      %dma_wait3A_40 = arith.constant 0 : i32
      %dma_wait3A_41 = tpu.memref_slice %arg10[%mul3A_25, %dma_wait3A_40] : memref<10000x128xf32, #tpu.memory_space<vmem_shared>> -> memref<624x128xf32, #tpu.memory_space<vmem_shared>>
      tpu.wait_dma2 semaphore(%run_scoped3A : memref<!tpu.dma_semaphore, #tpu.memory_space<semaphore_mem>>) src(%dma_wait3A_41 : memref<624x128xf32, #tpu.memory_space<vmem_shared>>) dst(%dma_wait3A_39 : memref<624x128xf32, #tpu.memory_space<hbm>>)
      tpu.yield
    }) : () -> ()
    %eq3A_31 = arith.constant 15 : i32
    %eq3A_32 = arith.cmpi eq, %arg1, %eq3A_31 : i32
    %convert_element_type3A_33 = arith.extui %eq3A_32 : i1 to i32
    %cond3A_34 = arith.constant 0 : i32
    %cond3A_35 = arith.cmpi ne, %convert_element_type3A_33, %cond3A_34 : i32
    scf.if %cond3A_35 {
      %mul3A_36 = arith.constant 10000 : i32
      %mul3A_37 = arith.muli %arg0, %mul3A_36 : i32
      %add3A_38 = arith.constant 9984 : i32
      %add3A_39 = arith.addi %mul3A_37, %add3A_38 : i32
      "tpu.region"() ({
        %run_scoped3A = tpu.sem_alloc : memref<!tpu.dma_semaphore, #tpu.memory_space<semaphore_mem>>
        %dma_start3A = arith.constant 0 : i32
        %dma_start3A_40 = tpu.memref_slice %arg5[%add3A_39, %dma_start3A] : memref<20000x128xf32, #tpu.memory_space<hbm>> -> memref<16x128xf32, #tpu.memory_space<hbm>>
        %dma_start3A_41 = arith.constant 9984 : i32
        %dma_start3A_42 = arith.constant 0 : i32
        %dma_start3A_43 = tpu.memref_slice %arg10[%dma_start3A_41, %dma_start3A_42] : memref<10000x128xf32, #tpu.memory_space<vmem_shared>> -> memref<16x128xf32, #tpu.memory_space<vmem_shared>>
        tpu.enqueue_dma source(%dma_start3A_43 : memref<16x128xf32, #tpu.memory_space<vmem_shared>>) target(%dma_start3A_40 : memref<16x128xf32, #tpu.memory_space<hbm>>) target_semaphore(%run_scoped3A : memref<!tpu.dma_semaphore, #tpu.memory_space<semaphore_mem>>)
        %dma_wait3A = arith.constant 0 : i32
        %dma_wait3A_44 = tpu.memref_slice %arg5[%add3A_39, %dma_wait3A] : memref<20000x128xf32, #tpu.memory_space<hbm>> -> memref<16x128xf32, #tpu.memory_space<hbm>>
        %dma_wait3A_45 = arith.constant 9984 : i32
        %dma_wait3A_46 = arith.constant 0 : i32
        %dma_wait3A_47 = tpu.memref_slice %arg10[%dma_wait3A_45, %dma_wait3A_46] : memref<10000x128xf32, #tpu.memory_space<vmem_shared>> -> memref<16x128xf32, #tpu.memory_space<vmem_shared>>
        tpu.wait_dma2 semaphore(%run_scoped3A : memref<!tpu.dma_semaphore, #tpu.memory_space<semaphore_mem>>) src(%dma_wait3A_47 : memref<16x128xf32, #tpu.memory_space<vmem_shared>>) dst(%dma_wait3A_44 : memref<16x128xf32, #tpu.memory_space<hbm>>)
        tpu.yield
      }) : () -> ()
    } else {
    }
    return
  }
}

#map = affine_map<(d0, d1) -> (0, 0)>
#map1 = affine_map<(d0, d1) -> (0)>
module attributes {stable_mosaic.version = 14 : i64} {
  func.func @segsum(%arg0: i32, %arg1: i32, %arg2: memref<10000x128xf32, #tpu.memory_space<hbm>>, %arg3: memref<320000xi32, #tpu.memory_space<hbm>>, %arg4: memref<320000xi32, #tpu.memory_space<hbm>>, %arg5: memref<20000x128xf32, #tpu.memory_space<hbm>>, %arg6: memref<10000xi32, #tpu.memory_space<vmem>>, %arg7: memref<80xi32, #tpu.memory_space<vmem>>, %arg8: memref<80x128xf32, #tpu.memory_space<vmem>>, %arg9: memref<104x128xf32, #tpu.memory_space<vmem>>, %arg10: memref<10000x128xf32, #tpu.memory_space<vmem_shared>>, %arg11: memref<!tpu.dma_semaphore, #tpu.memory_space<semaphore_mem>>) attributes {dimension_semantics = [#tpu.dimension_semantics<core_parallel>, #tpu.dimension_semantics<subcore_parallel>], iteration_bounds = array<i64: 2, 16>, scalar_prefetch = 0 : i64, scratch_operands = 6 : i64, tpu.core_type = #tpu.core_type<sc_vector_subcore>, window_params = [{transform_indices = #map}, {transform_indices = #map1}, {transform_indices = #map1}, {transform_indices = #map}]} {
    %mul3A = arith.constant 16 : i32
    %mul3A_0 = arith.muli %arg0, %mul3A : i32
    %add3A = arith.addi %mul3A_0, %arg1 : i32
    %broadcast_in_dim3A = arith.constant 0.000000e+00 : f32
    %broadcast_in_dim3A_1 = vector.broadcast %broadcast_in_dim3A : f32 to vector<16xf32>
    %scan3A = arith.constant 0 : i32
    %scan3A_2 = arith.constant 0 : i32
    %scan3A_3 = arith.constant 104 : i32
    %scan3A_4 = arith.addi %scan3A_2, %scan3A_3 : i32
    %scan3A_5 = arith.constant 1 : i32
    scf.for %scan3A_36 = %scan3A_2 to %scan3A_4 step %scan3A_5  : i32 {
      %swap3A = arith.index_cast %scan3A_36 : i32 to index
      %swap3A_37 = arith.constant 0 : index
      %swap3A_38 = tpu.vector_load %arg9[%swap3A, %swap3A_37] {strides = array<i32>} : memref<104x128xf32, #tpu.memory_space<vmem>>, vector<1x16xf32>,
      %swap3A_39 = vector.shape_cast %swap3A_38 : vector<1x16xf32> to vector<16xf32>
      %swap3A_40 = vector.shape_cast %broadcast_in_dim3A_1 : vector<16xf32> to vector<1x16xf32>
      tpu.vector_store %arg9[%swap3A, %swap3A_37], %swap3A_40 {strides = array<i32>} : memref<104x128xf32, #tpu.memory_space<vmem>>, vector<1x16xf32>,
      %swap3A_41 = arith.index_cast %scan3A_36 : i32 to index
      %swap3A_42 = arith.constant 16 : index
      %swap3A_43 = tpu.vector_load %arg9[%swap3A_41, %swap3A_42] {strides = array<i32>} : memref<104x128xf32, #tpu.memory_space<vmem>>, vector<1x16xf32>,
      %swap3A_44 = vector.shape_cast %swap3A_43 : vector<1x16xf32> to vector<16xf32>
      %swap3A_45 = vector.shape_cast %broadcast_in_dim3A_1 : vector<16xf32> to vector<1x16xf32>
      tpu.vector_store %arg9[%swap3A_41, %swap3A_42], %swap3A_45 {strides = array<i32>} : memref<104x128xf32, #tpu.memory_space<vmem>>, vector<1x16xf32>,
      %swap3A_46 = arith.index_cast %scan3A_36 : i32 to index
      %swap3A_47 = arith.constant 32 : index
      %swap3A_48 = tpu.vector_load %arg9[%swap3A_46, %swap3A_47] {strides = array<i32>} : memref<104x128xf32, #tpu.memory_space<vmem>>, vector<1x16xf32>,
      %swap3A_49 = vector.shape_cast %swap3A_48 : vector<1x16xf32> to vector<16xf32>
      %swap3A_50 = vector.shape_cast %broadcast_in_dim3A_1 : vector<16xf32> to vector<1x16xf32>
      tpu.vector_store %arg9[%swap3A_46, %swap3A_47], %swap3A_50 {strides = array<i32>} : memref<104x128xf32, #tpu.memory_space<vmem>>, vector<1x16xf32>,
      %swap3A_51 = arith.index_cast %scan3A_36 : i32 to index
      %swap3A_52 = arith.constant 48 : index
      %swap3A_53 = tpu.vector_load %arg9[%swap3A_51, %swap3A_52] {strides = array<i32>} : memref<104x128xf32, #tpu.memory_space<vmem>>, vector<1x16xf32>,
      %swap3A_54 = vector.shape_cast %swap3A_53 : vector<1x16xf32> to vector<16xf32>
      %swap3A_55 = vector.shape_cast %broadcast_in_dim3A_1 : vector<16xf32> to vector<1x16xf32>
      tpu.vector_store %arg9[%swap3A_51, %swap3A_52], %swap3A_55 {strides = array<i32>} : memref<104x128xf32, #tpu.memory_space<vmem>>, vector<1x16xf32>,
      %swap3A_56 = arith.index_cast %scan3A_36 : i32 to index
      %swap3A_57 = arith.constant 64 : index
      %swap3A_58 = tpu.vector_load %arg9[%swap3A_56, %swap3A_57] {strides = array<i32>} : memref<104x128xf32, #tpu.memory_space<vmem>>, vector<1x16xf32>,
      %swap3A_59 = vector.shape_cast %swap3A_58 : vector<1x16xf32> to vector<16xf32>
      %swap3A_60 = vector.shape_cast %broadcast_in_dim3A_1 : vector<16xf32> to vector<1x16xf32>
      tpu.vector_store %arg9[%swap3A_56, %swap3A_57], %swap3A_60 {strides = array<i32>} : memref<104x128xf32, #tpu.memory_space<vmem>>, vector<1x16xf32>,
      %swap3A_61 = arith.index_cast %scan3A_36 : i32 to index
      %swap3A_62 = arith.constant 80 : index
      %swap3A_63 = tpu.vector_load %arg9[%swap3A_61, %swap3A_62] {strides = array<i32>} : memref<104x128xf32, #tpu.memory_space<vmem>>, vector<1x16xf32>,
      %swap3A_64 = vector.shape_cast %swap3A_63 : vector<1x16xf32> to vector<16xf32>
      %swap3A_65 = vector.shape_cast %broadcast_in_dim3A_1 : vector<16xf32> to vector<1x16xf32>
      tpu.vector_store %arg9[%swap3A_61, %swap3A_62], %swap3A_65 {strides = array<i32>} : memref<104x128xf32, #tpu.memory_space<vmem>>, vector<1x16xf32>,
      %swap3A_66 = arith.index_cast %scan3A_36 : i32 to index
      %swap3A_67 = arith.constant 96 : index
      %swap3A_68 = tpu.vector_load %arg9[%swap3A_66, %swap3A_67] {strides = array<i32>} : memref<104x128xf32, #tpu.memory_space<vmem>>, vector<1x16xf32>,
      %swap3A_69 = vector.shape_cast %swap3A_68 : vector<1x16xf32> to vector<16xf32>
      %swap3A_70 = vector.shape_cast %broadcast_in_dim3A_1 : vector<16xf32> to vector<1x16xf32>
      tpu.vector_store %arg9[%swap3A_66, %swap3A_67], %swap3A_70 {strides = array<i32>} : memref<104x128xf32, #tpu.memory_space<vmem>>, vector<1x16xf32>,
      %swap3A_71 = arith.index_cast %scan3A_36 : i32 to index
      %swap3A_72 = arith.constant 112 : index
      %swap3A_73 = tpu.vector_load %arg9[%swap3A_71, %swap3A_72] {strides = array<i32>} : memref<104x128xf32, #tpu.memory_space<vmem>>, vector<1x16xf32>,
      %swap3A_74 = vector.shape_cast %swap3A_73 : vector<1x16xf32> to vector<16xf32>
      %swap3A_75 = vector.shape_cast %broadcast_in_dim3A_1 : vector<16xf32> to vector<1x16xf32>
      tpu.vector_store %arg9[%swap3A_71, %swap3A_72], %swap3A_75 {strides = array<i32>} : memref<104x128xf32, #tpu.memory_space<vmem>>, vector<1x16xf32>,
    }
    %scan3A_6 = arith.constant 104 : i32
    %scan3A_7 = arith.constant 0 : i32
    %scan3A_8 = arith.constant 0 : i32
    %scan3A_9 = arith.constant 6 : i32
    %scan3A_10 = arith.addi %scan3A_8, %scan3A_9 : i32
    %scan3A_11 = arith.constant 1 : i32
    scf.for %scan3A_36 = %scan3A_8 to %scan3A_10 step %scan3A_11  : i32 {
      %mul3A_37 = arith.constant 624 : i32
      %mul3A_38 = arith.muli %arg1, %mul3A_37 : i32
      %mul3A_39 = arith.constant 104 : i32
      %mul3A_40 = arith.muli %scan3A_36, %mul3A_39 : i32
      %add3A_41 = arith.addi %mul3A_38, %mul3A_40 : i32
      "tpu.region"() ({
        %run_scoped3A = tpu.sem_alloc : memref<!tpu.dma_semaphore, #tpu.memory_space<semaphore_mem>>
        %dma_start3A = arith.constant 0 : i32
        %dma_start3A_42 = tpu.memref_slice %arg10[%add3A_41, %dma_start3A] : memref<10000x128xf32, #tpu.memory_space<vmem_shared>> -> memref<104x128xf32, #tpu.memory_space<vmem_shared>>
        %dma_start3A_43 = arith.constant 0 : i32
        %dma_start3A_44 = tpu.memref_slice %arg10[%add3A_41, %dma_start3A_43] : memref<10000x128xf32, #tpu.memory_space<vmem_shared>> -> memref<104x128xf32, #tpu.memory_space<vmem_shared>>
        tpu.enqueue_dma source(%arg9 : memref<104x128xf32, #tpu.memory_space<vmem>>) target(%dma_start3A_44 : memref<104x128xf32, #tpu.memory_space<vmem_shared>>) target_semaphore(%run_scoped3A : memref<!tpu.dma_semaphore, #tpu.memory_space<semaphore_mem>>)
        %dma_wait3A = arith.constant 0 : i32
        %dma_wait3A_45 = tpu.memref_slice %arg10[%add3A_41, %dma_wait3A] : memref<10000x128xf32, #tpu.memory_space<vmem_shared>> -> memref<104x128xf32, #tpu.memory_space<vmem_shared>>
        %dma_wait3A_46 = arith.constant 0 : i32
        %dma_wait3A_47 = tpu.memref_slice %arg10[%add3A_41, %dma_wait3A_46] : memref<10000x128xf32, #tpu.memory_space<vmem_shared>> -> memref<104x128xf32, #tpu.memory_space<vmem_shared>>
        tpu.wait_dma2 semaphore(%run_scoped3A : memref<!tpu.dma_semaphore, #tpu.memory_space<semaphore_mem>>) src(%arg9 : memref<104x128xf32, #tpu.memory_space<vmem>>) dst(%dma_wait3A_47 : memref<104x128xf32, #tpu.memory_space<vmem_shared>>)
        tpu.yield
      }) : () -> ()
    }
    %scan3A_12 = arith.constant 6 : i32
    %eq3A = arith.constant 15 : i32
    %eq3A_13 = arith.cmpi eq, %arg1, %eq3A : i32
    %convert_element_type3A = arith.extui %eq3A_13 : i1 to i32
    %cond3A = arith.constant 0 : i32
    %cond3A_14 = arith.cmpi ne, %convert_element_type3A, %cond3A : i32
    scf.if %cond3A_14 {
      "tpu.region"() ({
        %run_scoped3A = tpu.sem_alloc : memref<!tpu.dma_semaphore, #tpu.memory_space<semaphore_mem>>
        %dma_start3A = arith.constant 0 : i32
        %dma_start3A_36 = arith.constant 0 : i32
        %dma_start3A_37 = tpu.memref_slice %arg9[%dma_start3A, %dma_start3A_36] : memref<104x128xf32, #tpu.memory_space<vmem>> -> memref<16x128xf32, #tpu.memory_space<vmem>>
        %dma_start3A_38 = arith.constant 9984 : i32
        %dma_start3A_39 = arith.constant 0 : i32
        %dma_start3A_40 = tpu.memref_slice %arg10[%dma_start3A_38, %dma_start3A_39] : memref<10000x128xf32, #tpu.memory_space<vmem_shared>> -> memref<16x128xf32, #tpu.memory_space<vmem_shared>>
        %dma_start3A_41 = arith.constant 9984 : i32
        %dma_start3A_42 = arith.constant 0 : i32
        %dma_start3A_43 = tpu.memref_slice %arg10[%dma_start3A_41, %dma_start3A_42] : memref<10000x128xf32, #tpu.memory_space<vmem_shared>> -> memref<16x128xf32, #tpu.memory_space<vmem_shared>>
        %dma_start3A_44 = arith.constant 0 : i32
        %dma_start3A_45 = arith.constant 0 : i32
        %dma_start3A_46 = tpu.memref_slice %arg9[%dma_start3A_44, %dma_start3A_45] : memref<104x128xf32, #tpu.memory_space<vmem>> -> memref<16x128xf32, #tpu.memory_space<vmem>>
        tpu.enqueue_dma source(%dma_start3A_46 : memref<16x128xf32, #tpu.memory_space<vmem>>) target(%dma_start3A_43 : memref<16x128xf32, #tpu.memory_space<vmem_shared>>) target_semaphore(%run_scoped3A : memref<!tpu.dma_semaphore, #tpu.memory_space<semaphore_mem>>)
        %dma_wait3A = arith.constant 0 : i32
        %dma_wait3A_47 = arith.constant 0 : i32
        %dma_wait3A_48 = tpu.memref_slice %arg9[%dma_wait3A, %dma_wait3A_47] : memref<104x128xf32, #tpu.memory_space<vmem>> -> memref<16x128xf32, #tpu.memory_space<vmem>>
        %dma_wait3A_49 = arith.constant 9984 : i32
        %dma_wait3A_50 = arith.constant 0 : i32
        %dma_wait3A_51 = tpu.memref_slice %arg10[%dma_wait3A_49, %dma_wait3A_50] : memref<10000x128xf32, #tpu.memory_space<vmem_shared>> -> memref<16x128xf32, #tpu.memory_space<vmem_shared>>
        %dma_wait3A_52 = arith.constant 9984 : i32
        %dma_wait3A_53 = arith.constant 0 : i32
        %dma_wait3A_54 = tpu.memref_slice %arg10[%dma_wait3A_52, %dma_wait3A_53] : memref<10000x128xf32, #tpu.memory_space<vmem_shared>> -> memref<16x128xf32, #tpu.memory_space<vmem_shared>>
        %dma_wait3A_55 = arith.constant 0 : i32
        %dma_wait3A_56 = arith.constant 0 : i32
        %dma_wait3A_57 = tpu.memref_slice %arg9[%dma_wait3A_55, %dma_wait3A_56] : memref<104x128xf32, #tpu.memory_space<vmem>> -> memref<16x128xf32, #tpu.memory_space<vmem>>
        tpu.wait_dma2 semaphore(%run_scoped3A : memref<!tpu.dma_semaphore, #tpu.memory_space<semaphore_mem>>) src(%dma_wait3A_57 : memref<16x128xf32, #tpu.memory_space<vmem>>) dst(%dma_wait3A_54 : memref<16x128xf32, #tpu.memory_space<vmem_shared>>)
        tpu.yield
      }) : () -> ()
    } else {
    }
    %mul3A_15 = arith.constant 10000 : i32
    %mul3A_16 = arith.muli %add3A, %mul3A_15 : i32
    "tpu.region"() ({
      %run_scoped3A = tpu.sem_alloc : memref<!tpu.dma_semaphore, #tpu.memory_space<semaphore_mem>>
      %dma_start3A = tpu.memref_slice %arg3[%mul3A_16] : memref<320000xi32, #tpu.memory_space<hbm>> -> memref<10000xi32, #tpu.memory_space<hbm>>
      %dma_start3A_36 = tpu.memref_slice %arg3[%mul3A_16] : memref<320000xi32, #tpu.memory_space<hbm>> -> memref<10000xi32, #tpu.memory_space<hbm>>
      tpu.enqueue_dma source(%dma_start3A_36 : memref<10000xi32, #tpu.memory_space<hbm>>) target(%arg6 : memref<10000xi32, #tpu.memory_space<vmem>>) target_semaphore(%run_scoped3A : memref<!tpu.dma_semaphore, #tpu.memory_space<semaphore_mem>>)
      %dma_wait3A = tpu.memref_slice %arg3[%mul3A_16] : memref<320000xi32, #tpu.memory_space<hbm>> -> memref<10000xi32, #tpu.memory_space<hbm>>
      %dma_wait3A_37 = tpu.memref_slice %arg3[%mul3A_16] : memref<320000xi32, #tpu.memory_space<hbm>> -> memref<10000xi32, #tpu.memory_space<hbm>>
      tpu.wait_dma2 semaphore(%run_scoped3A : memref<!tpu.dma_semaphore, #tpu.memory_space<semaphore_mem>>) src(%dma_wait3A_37 : memref<10000xi32, #tpu.memory_space<hbm>>) dst(%arg6 : memref<10000xi32, #tpu.memory_space<vmem>>)
      tpu.yield
    }) : () -> ()
    %barrier3A = arith.constant 0 : index
    tpu.barrier barrier_id(%barrier3A)
    %scan3A_17 = arith.constant 0 : i32
    %scan3A_18 = arith.constant 0 : i32
    %scan3A_19 = arith.constant 125 : i32
    %scan3A_20 = arith.addi %scan3A_18, %scan3A_19 : i32
    %scan3A_21 = arith.constant 1 : i32
    scf.for %scan3A_36 = %scan3A_18 to %scan3A_20 step %scan3A_21  : i32 {
      %mul3A_37 = arith.constant 10000 : i32
      %mul3A_38 = arith.muli %add3A, %mul3A_37 : i32
      %mul3A_39 = arith.constant 80 : i32
      %mul3A_40 = arith.muli %scan3A_36, %mul3A_39 : i32
      %add3A_41 = arith.addi %mul3A_38, %mul3A_40 : i32
      "tpu.region"() ({
        %run_scoped3A = tpu.sem_alloc : memref<!tpu.dma_semaphore, #tpu.memory_space<semaphore_mem>>
        %dma_start3A_50 = tpu.memref_slice %arg4[%add3A_41] : memref<320000xi32, #tpu.memory_space<hbm>> -> memref<80xi32, #tpu.memory_space<hbm>>
        %dma_start3A_51 = tpu.memref_slice %arg4[%add3A_41] : memref<320000xi32, #tpu.memory_space<hbm>> -> memref<80xi32, #tpu.memory_space<hbm>>
        tpu.enqueue_dma source(%dma_start3A_51 : memref<80xi32, #tpu.memory_space<hbm>>) target(%arg7 : memref<80xi32, #tpu.memory_space<vmem>>) target_semaphore(%run_scoped3A : memref<!tpu.dma_semaphore, #tpu.memory_space<semaphore_mem>>)
        %dma_wait3A_52 = tpu.memref_slice %arg4[%add3A_41] : memref<320000xi32, #tpu.memory_space<hbm>> -> memref<80xi32, #tpu.memory_space<hbm>>
        %dma_wait3A_53 = tpu.memref_slice %arg4[%add3A_41] : memref<320000xi32, #tpu.memory_space<hbm>> -> memref<80xi32, #tpu.memory_space<hbm>>
        tpu.wait_dma2 semaphore(%run_scoped3A : memref<!tpu.dma_semaphore, #tpu.memory_space<semaphore_mem>>) src(%dma_wait3A_53 : memref<80xi32, #tpu.memory_space<hbm>>) dst(%arg7 : memref<80xi32, #tpu.memory_space<vmem>>)
        tpu.yield
      }) : () -> ()
      %mul3A_42 = arith.constant 80 : i32
      %mul3A_43 = arith.muli %scan3A_36, %mul3A_42 : i32
      %dma_start3A = tpu.memref_slice %arg6[%mul3A_43] : memref<10000xi32, #tpu.memory_space<vmem>> -> memref<80xi32, #tpu.memory_space<vmem>>
      %dma_start3A_44 = arith.constant 0 : i32
      %dma_start3A_45 = arith.constant 0 : i32
      %dma_start3A_46 = tpu.memref_slice %arg2[%dma_start3A_44, %dma_start3A_45] : memref<10000x128xf32, #tpu.memory_space<hbm>> -> memref<10000x128xf32, #tpu.memory_space<hbm>>
      tpu.enqueue_indirect_dma source(%dma_start3A_46 : memref<10000x128xf32, #tpu.memory_space<hbm>>) target(%arg8 : memref<80x128xf32, #tpu.memory_space<vmem>>) offsets(%dma_start3A : memref<80xi32, #tpu.memory_space<vmem>>) semaphore(%arg11 : memref<!tpu.dma_semaphore, #tpu.memory_space<semaphore_mem>>)
      %dma_wait3A = tpu.memref_slice %arg6[%mul3A_43] : memref<10000xi32, #tpu.memory_space<vmem>> -> memref<80xi32, #tpu.memory_space<vmem>>
      %dma_wait3A_47 = arith.constant 0 : i32
      %dma_wait3A_48 = arith.constant 0 : i32
      %dma_wait3A_49 = tpu.memref_slice %arg2[%dma_wait3A_47, %dma_wait3A_48] : memref<10000x128xf32, #tpu.memory_space<hbm>> -> memref<10000x128xf32, #tpu.memory_space<hbm>>
      tpu.wait_indirect_dma semaphore(%arg11 : memref<!tpu.dma_semaphore, #tpu.memory_space<semaphore_mem>>) src(%dma_wait3A_49 : memref<10000x128xf32, #tpu.memory_space<hbm>>) dst(%arg8 : memref<80x128xf32, #tpu.memory_space<vmem>>)
      "tpu.region"() ({
        %run_scoped3A = tpu.sem_alloc : memref<!tpu.dma_semaphore, #tpu.memory_space<semaphore_mem>>
        %dma_start3A_50 = arith.constant 0 : i32
        %dma_start3A_51 = arith.constant 0 : i32
        %dma_start3A_52 = tpu.memref_slice %arg10[%dma_start3A_50, %dma_start3A_51] : memref<10000x128xf32, #tpu.memory_space<vmem_shared>> -> memref<10000x128xf32, #tpu.memory_space<vmem_shared>>
        tpu.enqueue_indirect_dma source(%arg8 : memref<80x128xf32, #tpu.memory_space<vmem>>) target(%dma_start3A_52 : memref<10000x128xf32, #tpu.memory_space<vmem_shared>>) offsets(%arg7 : memref<80xi32, #tpu.memory_space<vmem>>) semaphore(%run_scoped3A : memref<!tpu.dma_semaphore, #tpu.memory_space<semaphore_mem>>) {add = true}
        %dma_wait3A_53 = arith.constant 0 : i32
        %dma_wait3A_54 = arith.constant 0 : i32
        %dma_wait3A_55 = tpu.memref_slice %arg10[%dma_wait3A_53, %dma_wait3A_54] : memref<10000x128xf32, #tpu.memory_space<vmem_shared>> -> memref<10000x128xf32, #tpu.memory_space<vmem_shared>>
        tpu.wait_indirect_dma semaphore(%run_scoped3A : memref<!tpu.dma_semaphore, #tpu.memory_space<semaphore_mem>>) src(%arg8 : memref<80x128xf32, #tpu.memory_space<vmem>>) dst(%dma_wait3A_55 : memref<10000x128xf32, #tpu.memory_space<vmem_shared>>)
        tpu.yield
      }) : () -> ()
    }
    %scan3A_22 = arith.constant 125 : i32
    %barrier3A_23 = arith.constant 0 : index
    tpu.barrier barrier_id(%barrier3A_23)
    %mul3A_24 = arith.constant 624 : i32
    %mul3A_25 = arith.muli %arg1, %mul3A_24 : i32
    %mul3A_26 = arith.constant 10000 : i32
    %mul3A_27 = arith.muli %arg0, %mul3A_26 : i32
    %mul3A_28 = arith.constant 624 : i32
    %mul3A_29 = arith.muli %arg1, %mul3A_28 : i32
    %add3A_30 = arith.addi %mul3A_27, %mul3A_29 : i32
    "tpu.region"() ({
      %run_scoped3A = tpu.sem_alloc : memref<!tpu.dma_semaphore, #tpu.memory_space<semaphore_mem>>
      %dma_start3A = arith.constant 0 : i32
      %dma_start3A_36 = tpu.memref_slice %arg5[%add3A_30, %dma_start3A] : memref<20000x128xf32, #tpu.memory_space<hbm>> -> memref<624x128xf32, #tpu.memory_space<hbm>>
      %dma_start3A_37 = arith.constant 0 : i32
      %dma_start3A_38 = tpu.memref_slice %arg10[%mul3A_25, %dma_start3A_37] : memref<10000x128xf32, #tpu.memory_space<vmem_shared>> -> memref<624x128xf32, #tpu.memory_space<vmem_shared>>
      tpu.enqueue_dma source(%dma_start3A_38 : memref<624x128xf32, #tpu.memory_space<vmem_shared>>) target(%dma_start3A_36 : memref<624x128xf32, #tpu.memory_space<hbm>>) target_semaphore(%run_scoped3A : memref<!tpu.dma_semaphore, #tpu.memory_space<semaphore_mem>>)
      %dma_wait3A = arith.constant 0 : i32
      %dma_wait3A_39 = tpu.memref_slice %arg5[%add3A_30, %dma_wait3A] : memref<20000x128xf32, #tpu.memory_space<hbm>> -> memref<624x128xf32, #tpu.memory_space<hbm>>
      %dma_wait3A_40 = arith.constant 0 : i32
      %dma_wait3A_41 = tpu.memref_slice %arg10[%mul3A_25, %dma_wait3A_40] : memref<10000x128xf32, #tpu.memory_space<vmem_shared>> -> memref<624x128xf32, #tpu.memory_space<vmem_shared>>
      tpu.wait_dma2 semaphore(%run_scoped3A : memref<!tpu.dma_semaphore, #tpu.memory_space<semaphore_mem>>) src(%dma_wait3A_41 : memref<624x128xf32, #tpu.memory_space<vmem_shared>>) dst(%dma_wait3A_39 : memref<624x128xf32, #tpu.memory_space<hbm>>)
      tpu.yield
    }) : () -> ()
    %eq3A_31 = arith.constant 15 : i32
    %eq3A_32 = arith.cmpi eq, %arg1, %eq3A_31 : i32
    %convert_element_type3A_33 = arith.extui %eq3A_32 : i1 to i32
    %cond3A_34 = arith.constant 0 : i32
    %cond3A_35 = arith.cmpi ne, %convert_element_type3A_33, %cond3A_34 : i32
    scf.if %cond3A_35 {
      %mul3A_36 = arith.constant 10000 : i32
      %mul3A_37 = arith.muli %arg0, %mul3A_36 : i32
      %add3A_38 = arith.constant 9984 : i32
      %add3A_39 = arith.addi %mul3A_37, %add3A_38 : i32
      "tpu.region"() ({
        %run_scoped3A = tpu.sem_alloc : memref<!tpu.dma_semaphore, #tpu.memory_space<semaphore_mem>>
        %dma_start3A = arith.constant 0 : i32
        %dma_start3A_40 = tpu.memref_slice %arg5[%add3A_39, %dma_start3A] : memref<20000x128xf32, #tpu.memory_space<hbm>> -> memref<16x128xf32, #tpu.memory_space<hbm>>
        %dma_start3A_41 = arith.constant 9984 : i32
        %dma_start3A_42 = arith.constant 0 : i32
        %dma_start3A_43 = tpu.memref_slice %arg10[%dma_start3A_41, %dma_start3A_42] : memref<10000x128xf32, #tpu.memory_space<vmem_shared>> -> memref<16x128xf32, #tpu.memory_space<vmem_shared>>
        tpu.enqueue_dma source(%dma_start3A_43 : memref<16x128xf32, #tpu.memory_space<vmem_shared>>) target(%dma_start3A_40 : memref<16x128xf32, #tpu.memory_space<hbm>>) target_semaphore(%run_scoped3A : memref<!tpu.dma_semaphore, #tpu.memory_space<semaphore_mem>>)
        %dma_wait3A = arith.constant 0 : i32
        %dma_wait3A_44 = tpu.memref_slice %arg5[%add3A_39, %dma_wait3A] : memref<20000x128xf32, #tpu.memory_space<hbm>> -> memref<16x128xf32, #tpu.memory_space<hbm>>
        %dma_wait3A_45 = arith.constant 9984 : i32
        %dma_wait3A_46 = arith.constant 0 : i32
        %dma_wait3A_47 = tpu.memref_slice %arg10[%dma_wait3A_45, %dma_wait3A_46] : memref<10000x128xf32, #tpu.memory_space<vmem_shared>> -> memref<16x128xf32, #tpu.memory_space<vmem_shared>>
        tpu.wait_dma2 semaphore(%run_scoped3A : memref<!tpu.dma_semaphore, #tpu.memory_space<semaphore_mem>>) src(%dma_wait3A_47 : memref<16x128xf32, #tpu.memory_space<vmem_shared>>) dst(%dma_wait3A_44 : memref<16x128xf32, #tpu.memory_space<hbm>>)
        tpu.yield
      }) : () -> ()
    } else {
    }
    return
  }
}

module attributes {stable_mosaic.version = 14 : i64} {
  func.func @body(%arg0: i32, %arg1: memref<2000x128xf32, #tpu.memory_space<vmem>>, %arg2: memref<2000x128xf32, #tpu.memory_space<vmem>>, %arg3: memref<2000x128xf32, #tpu.memory_space<vmem>>, %arg4: memref<128x128xf32, #tpu.memory_space<vmem>>, %arg5: memref<1x128xf32, #tpu.memory_space<vmem>>, %arg6: memref<2000x128xf32, #tpu.memory_space<vmem>>) attributes {dimension_semantics = [#tpu.dimension_semantics<arbitrary>], iteration_bounds = array<i64: 5>, scalar_prefetch = 0 : i64, scratch_operands = 0 : i64, tpu.core_type = #tpu.core_type<tc>, window_params = [{transform_indices = @transform_0, window_bounds = array<i64: 2000, 128>}, {transform_indices = @transform_1, window_bounds = array<i64: 2000, 128>}, {transform_indices = @transform_2, window_bounds = array<i64: 2000, 128>}, {pipeline_mode = #tpu.pipeline_mode<synchronous>, transform_indices = @transform_3, window_bounds = array<i64: 128, 128>}, {pipeline_mode = #tpu.pipeline_mode<synchronous>, transform_indices = @transform_4, window_bounds = array<i64: 1, 128>}, {transform_indices = @transform_5, window_bounds = array<i64: 2000, 128>}]} {
    %get3A = arith.constant 0 : index
    %get3A_0 = arith.constant 0 : index
    %get3A_1 = vector.load %arg1[%get3A, %get3A_0] : memref<2000x128xf32, #tpu.memory_space<vmem>>, vector<2000x128xf32>
    %get3A_2 = arith.constant 0 : index
    %get3A_3 = arith.constant 0 : index
    %get3A_4 = vector.load %arg2[%get3A_2, %get3A_3] : memref<2000x128xf32, #tpu.memory_space<vmem>>, vector<2000x128xf32>
    %add3A = arith.addf %get3A_1, %get3A_4 : vector<2000x128xf32>
    %get3A_5 = arith.constant 0 : index
    %get3A_6 = arith.constant 0 : index
    %get3A_7 = vector.load %arg3[%get3A_5, %get3A_6] : memref<2000x128xf32, #tpu.memory_space<vmem>>, vector<2000x128xf32>
    %add3A_8 = arith.addf %add3A, %get3A_7 : vector<2000x128xf32>
    %get3A_9 = arith.constant 0 : index
    %get3A_10 = arith.constant 0 : index
    %get3A_11 = vector.load %arg4[%get3A_9, %get3A_10] : memref<128x128xf32, #tpu.memory_space<vmem>>, vector<128x128xf32>
    %dot_general3A = arith.constant dense<0.000000e+00> : vector<2000x128xf32>
    %dot_general3A_12 = tpu.matmul %add3A_8, %get3A_11, %dot_general3A {dimension_numbers = #tpu.dot_dimension_numbers<[1], [0], [0], [1], [0, 0, 1, 1], [], []>, transpose_lhs_hint = false} : vector<2000x128xf32>, vector<128x128xf32>, vector<2000x128xf32> -> vector<2000x128xf32>
    %get3A_13 = arith.constant 0 : index
    %get3A_14 = arith.constant 0 : index
    %get3A_15 = vector.load %arg5[%get3A_13, %get3A_14] : memref<1x128xf32, #tpu.memory_space<vmem>>, vector<1x128xf32>
    %add3A_16 = vector.broadcast %get3A_15 : vector<1x128xf32> to vector<2000x128xf32>
    %add3A_17 = arith.addf %dot_general3A_12, %add3A_16 : vector<2000x128xf32>
    %max3A = arith.constant 0.000000e+00 : f32
    %max3A_18 = vector.broadcast %max3A : f32 to vector<2000x128xf32>
    %max3A_19 = arith.maximumf %add3A_17, %max3A_18 : vector<2000x128xf32>
    %swap3A = arith.constant 0 : index
    %swap3A_20 = arith.constant 0 : index
    %swap3A_21 = vector.load %arg6[%swap3A, %swap3A_20] : memref<2000x128xf32, #tpu.memory_space<vmem>>, vector<2000x128xf32>
    tpu.vector_store %arg6[%swap3A, %swap3A_20], %max3A_19 {strides = array<i32>} : memref<2000x128xf32, #tpu.memory_space<vmem>>, vector<2000x128xf32>,
    return
  }
  func.func @transform_0(%arg0: i32) -> (i32, i32) {
    %c0_i32 = arith.constant 0 : i32
    %c0_i32_0 = arith.constant 0 : i32
    return %arg0, %c0_i32 : i32, i32
  }
  func.func @transform_1(%arg0: i32) -> (i32, i32) {
    %c0_i32 = arith.constant 0 : i32
    %c0_i32_0 = arith.constant 0 : i32
    return %arg0, %c0_i32 : i32, i32
  }
  func.func @transform_2(%arg0: i32) -> (i32, i32) {
    %add3A = arith.constant 5 : i32
    %add3A_0 = arith.addi %arg0, %add3A : i32
    %c0_i32 = arith.constant 0 : i32
    %c0_i32_1 = arith.constant 0 : i32
    return %add3A_0, %c0_i32 : i32, i32
  }
  func.func @transform_3(%arg0: i32) -> (i32, i32) {
    %c0_i32 = arith.constant 0 : i32
    %c0_i32_0 = arith.constant 0 : i32
    %c0_i32_1 = arith.constant 0 : i32
    return %c0_i32, %c0_i32_0 : i32, i32
  }
  func.func @transform_4(%arg0: i32) -> (i32, i32) {
    %c0_i32 = arith.constant 0 : i32
    %c0_i32_0 = arith.constant 0 : i32
    %c0_i32_1 = arith.constant 0 : i32
    return %c0_i32, %c0_i32_0 : i32, i32
  }
  func.func @transform_5(%arg0: i32) -> (i32, i32) {
    %c0_i32 = arith.constant 0 : i32
    %c0_i32_0 = arith.constant 0 : i32
    return %arg0, %c0_i32 : i32, i32
  }
}

module attributes {stable_mosaic.version = 14 : i64} {
  func.func @body(%arg0: i32, %arg1: memref<2000x128xf32, #tpu.memory_space<vmem>>, %arg2: memref<2000x128xf32, #tpu.memory_space<vmem>>, %arg3: memref<2000x128xf32, #tpu.memory_space<vmem>>, %arg4: memref<128x128xf32, #tpu.memory_space<vmem>>, %arg5: memref<1x128xf32, #tpu.memory_space<vmem>>, %arg6: memref<2000x2xf32, #tpu.memory_space<vmem>>, %arg7: memref<2x2xf32, #tpu.memory_space<vmem>>, %arg8: memref<1x2xf32, #tpu.memory_space<vmem>>, %arg9: memref<128x1024xf32, #tpu.memory_space<vmem>>, %arg10: memref<2x1024xf32, #tpu.memory_space<vmem>>, %arg11: memref<1x1024xf32, #tpu.memory_space<vmem>>, %arg12: memref<2000x1024xf32, #tpu.memory_space<vmem>>, %arg13: memref<2x1024xf32, #tpu.memory_space<vmem>>) attributes {dimension_semantics = [#tpu.dimension_semantics<arbitrary>], iteration_bounds = array<i64: 5>, scalar_prefetch = 0 : i64, scratch_operands = 0 : i64, tpu.core_type = #tpu.core_type<tc>, window_params = [{transform_indices = @transform_0, window_bounds = array<i64: 2000, 128>}, {transform_indices = @transform_1, window_bounds = array<i64: 2000, 128>}, {transform_indices = @transform_2, window_bounds = array<i64: 2000, 128>}, {pipeline_mode = #tpu.pipeline_mode<synchronous>, transform_indices = @transform_3, window_bounds = array<i64: 128, 128>}, {pipeline_mode = #tpu.pipeline_mode<synchronous>, transform_indices = @transform_4, window_bounds = array<i64: 1, 128>}, {transform_indices = @transform_5, window_bounds = array<i64: 2000, 2>}, {pipeline_mode = #tpu.pipeline_mode<synchronous>, transform_indices = @transform_6, window_bounds = array<i64: 2, 2>}, {pipeline_mode = #tpu.pipeline_mode<synchronous>, transform_indices = @transform_7, window_bounds = array<i64: 1, 2>}, {pipeline_mode = #tpu.pipeline_mode<synchronous>, transform_indices = @transform_8, window_bounds = array<i64: 128, 1024>}, {pipeline_mode = #tpu.pipeline_mode<synchronous>, transform_indices = @transform_9, window_bounds = array<i64: 2, 1024>}, {pipeline_mode = #tpu.pipeline_mode<synchronous>, transform_indices = @transform_10, window_bounds = array<i64: 1, 1024>}, {transform_indices = @transform_11, window_bounds = array<i64: 2000, 1024>}, {pipeline_mode = #tpu.pipeline_mode<synchronous>, transform_indices = @transform_12, window_bounds = array<i64: 2, 1024>}]} {
    %get3A = arith.constant 0 : index
    %get3A_0 = arith.constant 0 : index
    %get3A_1 = vector.load %arg1[%get3A, %get3A_0] : memref<2000x128xf32, #tpu.memory_space<vmem>>, vector<2000x128xf32>
    %get3A_2 = arith.constant 0 : index
    %get3A_3 = arith.constant 0 : index
    %get3A_4 = vector.load %arg2[%get3A_2, %get3A_3] : memref<2000x128xf32, #tpu.memory_space<vmem>>, vector<2000x128xf32>
    %add3A = arith.addf %get3A_1, %get3A_4 : vector<2000x128xf32>
    %get3A_5 = arith.constant 0 : index
    %get3A_6 = arith.constant 0 : index
    %get3A_7 = vector.load %arg3[%get3A_5, %get3A_6] : memref<2000x128xf32, #tpu.memory_space<vmem>>, vector<2000x128xf32>
    %add3A_8 = arith.addf %add3A, %get3A_7 : vector<2000x128xf32>
    %get3A_9 = arith.constant 0 : index
    %get3A_10 = arith.constant 0 : index
    %get3A_11 = vector.load %arg4[%get3A_9, %get3A_10] : memref<128x128xf32, #tpu.memory_space<vmem>>, vector<128x128xf32>
    %dot_general3A = arith.constant dense<0.000000e+00> : vector<2000x128xf32>
    %dot_general3A_12 = tpu.matmul %add3A_8, %get3A_11, %dot_general3A {dimension_numbers = #tpu.dot_dimension_numbers<[1], [0], [0], [1], [0, 0, 1, 1], [], []>, transpose_lhs_hint = false} : vector<2000x128xf32>, vector<128x128xf32>, vector<2000x128xf32> -> vector<2000x128xf32>
    %get3A_13 = arith.constant 0 : index
    %get3A_14 = arith.constant 0 : index
    %get3A_15 = vector.load %arg5[%get3A_13, %get3A_14] : memref<1x128xf32, #tpu.memory_space<vmem>>, vector<1x128xf32>
    %add3A_16 = vector.broadcast %get3A_15 : vector<1x128xf32> to vector<2000x128xf32>
    %add3A_17 = arith.addf %dot_general3A_12, %add3A_16 : vector<2000x128xf32>
    %max3A = arith.constant 0.000000e+00 : f32
    %max3A_18 = vector.broadcast %max3A : f32 to vector<2000x128xf32>
    %max3A_19 = arith.maximumf %add3A_17, %max3A_18 : vector<2000x128xf32>
    %get3A_20 = arith.constant 0 : index
    %get3A_21 = arith.constant 0 : index
    %get3A_22 = vector.load %arg6[%get3A_20, %get3A_21] : memref<2000x2xf32, #tpu.memory_space<vmem>>, vector<2000x2xf32>
    %get3A_23 = arith.constant 0 : index
    %get3A_24 = arith.constant 0 : index
    %get3A_25 = vector.load %arg7[%get3A_23, %get3A_24] : memref<2x2xf32, #tpu.memory_space<vmem>>, vector<2x2xf32>
    %dot_general3A_26 = arith.constant dense<0.000000e+00> : vector<2000x2xf32>
    %dot_general3A_27 = tpu.matmul %get3A_22, %get3A_25, %dot_general3A_26 {dimension_numbers = #tpu.dot_dimension_numbers<[1], [0], [0], [1], [0, 0, 1, 1], [], []>, transpose_lhs_hint = false} : vector<2000x2xf32>, vector<2x2xf32>, vector<2000x2xf32> -> vector<2000x2xf32>
    %get3A_28 = arith.constant 0 : index
    %get3A_29 = arith.constant 0 : index
    %get3A_30 = vector.load %arg8[%get3A_28, %get3A_29] : memref<1x2xf32, #tpu.memory_space<vmem>>, vector<1x2xf32>
    %add3A_31 = vector.broadcast %get3A_30 : vector<1x2xf32> to vector<2000x2xf32>
    %add3A_32 = arith.addf %dot_general3A_27, %add3A_31 : vector<2000x2xf32>
    %get3A_33 = arith.constant 0 : index
    %get3A_34 = arith.constant 0 : index
    %get3A_35 = vector.load %arg9[%get3A_33, %get3A_34] : memref<128x1024xf32, #tpu.memory_space<vmem>>, vector<128x1024xf32>
    %dot_general3A_36 = arith.constant dense<0.000000e+00> : vector<2000x1024xf32>
    %dot_general3A_37 = tpu.matmul %max3A_19, %get3A_35, %dot_general3A_36 {dimension_numbers = #tpu.dot_dimension_numbers<[1], [0], [0], [1], [0, 0, 1, 1], [], []>, transpose_lhs_hint = false} : vector<2000x128xf32>, vector<128x1024xf32>, vector<2000x1024xf32> -> vector<2000x1024xf32>
    %get3A_38 = arith.constant 0 : index
    %get3A_39 = arith.constant 0 : index
    %get3A_40 = vector.load %arg10[%get3A_38, %get3A_39] : memref<2x1024xf32, #tpu.memory_space<vmem>>, vector<2x1024xf32>
    %dot_general3A_41 = arith.constant dense<0.000000e+00> : vector<2000x1024xf32>
    %dot_general3A_42 = tpu.matmul %add3A_32, %get3A_40, %dot_general3A_41 {dimension_numbers = #tpu.dot_dimension_numbers<[1], [0], [0], [1], [0, 0, 1, 1], [], []>, transpose_lhs_hint = false} : vector<2000x2xf32>, vector<2x1024xf32>, vector<2000x1024xf32> -> vector<2000x1024xf32>
    %add3A_43 = arith.addf %dot_general3A_37, %dot_general3A_42 : vector<2000x1024xf32>
    %get3A_44 = arith.constant 0 : index
    %get3A_45 = arith.constant 0 : index
    %get3A_46 = vector.load %arg11[%get3A_44, %get3A_45] : memref<1x1024xf32, #tpu.memory_space<vmem>>, vector<1x1024xf32>
    %add3A_47 = vector.broadcast %get3A_46 : vector<1x1024xf32> to vector<2000x1024xf32>
    %add3A_48 = arith.addf %add3A_43, %add3A_47 : vector<2000x1024xf32>
    %swap3A = arith.constant 0 : index
    %swap3A_49 = arith.constant 0 : index
    %swap3A_50 = vector.load %arg12[%swap3A, %swap3A_49] : memref<2000x1024xf32, #tpu.memory_space<vmem>>, vector<2000x1024xf32>
    tpu.vector_store %arg12[%swap3A, %swap3A_49], %add3A_48 {strides = array<i32>} : memref<2000x1024xf32, #tpu.memory_space<vmem>>, vector<2000x1024xf32>,
    %reduce_sum3A = arith.constant dense<0.000000e+00> : vector<1024xf32>
    %reduce_sum3A_51 = vector.multi_reduction <add>, %add3A_48, %reduce_sum3A [0] : vector<2000x1024xf32> to vector<1024xf32>
    %broadcast_in_dim3A = vector.shape_cast %reduce_sum3A_51 : vector<1024xf32> to vector<1x1024xf32>
    %mul3A = arith.mulf %add3A_48, %add3A_48 : vector<2000x1024xf32>
    %reduce_sum3A_52 = arith.constant dense<0.000000e+00> : vector<1024xf32>
    %reduce_sum3A_53 = vector.multi_reduction <add>, %mul3A, %reduce_sum3A_52 [0] : vector<2000x1024xf32> to vector<1024xf32>
    %broadcast_in_dim3A_54 = vector.shape_cast %reduce_sum3A_53 : vector<1024xf32> to vector<1x1024xf32>
    %concatenate3A = tpu.concatenate %broadcast_in_dim3A, %broadcast_in_dim3A_54 in 0 : vector<1x1024xf32>, vector<1x1024xf32> -> vector<2x1024xf32>
    %eq3A = arith.constant 0 : i32
    %eq3A_55 = arith.cmpi eq, %arg0, %eq3A : i32
    %convert_element_type3A = arith.extui %eq3A_55 : i1 to i32
    %cond3A = arith.constant 0 : i32
    %cond3A_56 = arith.cmpi ne, %convert_element_type3A, %cond3A : i32
    scf.if %cond3A_56 {
      %broadcast_in_dim3A_64 = arith.constant 0.000000e+00 : f32
      %broadcast_in_dim3A_65 = vector.broadcast %broadcast_in_dim3A_64 : f32 to vector<2x1024xf32>
      %swap3A_66 = arith.constant 0 : index
      %swap3A_67 = arith.constant 0 : index
      %swap3A_68 = vector.load %arg13[%swap3A_66, %swap3A_67] : memref<2x1024xf32, #tpu.memory_space<vmem>>, vector<2x1024xf32>
      tpu.vector_store %arg13[%swap3A_66, %swap3A_67], %broadcast_in_dim3A_65 {strides = array<i32>} : memref<2x1024xf32, #tpu.memory_space<vmem>>, vector<2x1024xf32>,
    } else {
    }
    %get3A_57 = arith.constant 0 : index
    %get3A_58 = arith.constant 0 : index
    %get3A_59 = vector.load %arg13[%get3A_57, %get3A_58] : memref<2x1024xf32, #tpu.memory_space<vmem>>, vector<2x1024xf32>
    %add3A_60 = arith.addf %get3A_59, %concatenate3A : vector<2x1024xf32>
    %swap3A_61 = arith.constant 0 : index
    %swap3A_62 = arith.constant 0 : index
    %swap3A_63 = vector.load %arg13[%swap3A_61, %swap3A_62] : memref<2x1024xf32, #tpu.memory_space<vmem>>, vector<2x1024xf32>
    tpu.vector_store %arg13[%swap3A_61, %swap3A_62], %add3A_60 {strides = array<i32>} : memref<2x1024xf32, #tpu.memory_space<vmem>>, vector<2x1024xf32>,
    return
  }
  func.func @transform_0(%arg0: i32) -> (i32, i32) {
    %c0_i32 = arith.constant 0 : i32
    %c0_i32_0 = arith.constant 0 : i32
    return %arg0, %c0_i32 : i32, i32
  }
  func.func @transform_1(%arg0: i32) -> (i32, i32) {
    %c0_i32 = arith.constant 0 : i32
    %c0_i32_0 = arith.constant 0 : i32
    return %arg0, %c0_i32 : i32, i32
  }
  func.func @transform_2(%arg0: i32) -> (i32, i32) {
    %add3A = arith.constant 5 : i32
    %add3A_0 = arith.addi %arg0, %add3A : i32
    %c0_i32 = arith.constant 0 : i32
    %c0_i32_1 = arith.constant 0 : i32
    return %add3A_0, %c0_i32 : i32, i32
  }
  func.func @transform_3(%arg0: i32) -> (i32, i32) {
    %c0_i32 = arith.constant 0 : i32
    %c0_i32_0 = arith.constant 0 : i32
    %c0_i32_1 = arith.constant 0 : i32
    return %c0_i32, %c0_i32_0 : i32, i32
  }
  func.func @transform_4(%arg0: i32) -> (i32, i32) {
    %c0_i32 = arith.constant 0 : i32
    %c0_i32_0 = arith.constant 0 : i32
    %c0_i32_1 = arith.constant 0 : i32
    return %c0_i32, %c0_i32_0 : i32, i32
  }
  func.func @transform_5(%arg0: i32) -> (i32, i32) {
    %c0_i32 = arith.constant 0 : i32
    %c0_i32_0 = arith.constant 0 : i32
    return %arg0, %c0_i32 : i32, i32
  }
  func.func @transform_6(%arg0: i32) -> (i32, i32) {
    %c0_i32 = arith.constant 0 : i32
    %c0_i32_0 = arith.constant 0 : i32
    %c0_i32_1 = arith.constant 0 : i32
    return %c0_i32, %c0_i32_0 : i32, i32
  }
  func.func @transform_7(%arg0: i32) -> (i32, i32) {
    %c0_i32 = arith.constant 0 : i32
    %c0_i32_0 = arith.constant 0 : i32
    %c0_i32_1 = arith.constant 0 : i32
    return %c0_i32, %c0_i32_0 : i32, i32
  }
  func.func @transform_8(%arg0: i32) -> (i32, i32) {
    %c0_i32 = arith.constant 0 : i32
    %c0_i32_0 = arith.constant 0 : i32
    %c0_i32_1 = arith.constant 0 : i32
    return %c0_i32, %c0_i32_0 : i32, i32
  }
  func.func @transform_9(%arg0: i32) -> (i32, i32) {
    %c0_i32 = arith.constant 0 : i32
    %c0_i32_0 = arith.constant 0 : i32
    %c0_i32_1 = arith.constant 0 : i32
    return %c0_i32, %c0_i32_0 : i32, i32
  }
  func.func @transform_10(%arg0: i32) -> (i32, i32) {
    %c0_i32 = arith.constant 0 : i32
    %c0_i32_0 = arith.constant 0 : i32
    %c0_i32_1 = arith.constant 0 : i32
    return %c0_i32, %c0_i32_0 : i32, i32
  }
  func.func @transform_11(%arg0: i32) -> (i32, i32) {
    %c0_i32 = arith.constant 0 : i32
    %c0_i32_0 = arith.constant 0 : i32
    return %arg0, %c0_i32 : i32, i32
  }
  func.func @transform_12(%arg0: i32) -> (i32, i32) {
    %c0_i32 = arith.constant 0 : i32
    %c0_i32_0 = arith.constant 0 : i32
    %c0_i32_1 = arith.constant 0 : i32
    return %c0_i32, %c0_i32_0 : i32, i32
  }
}

module attributes {stable_mosaic.version = 14 : i64} {
  func.func @body(%arg0: i32, %arg1: memref<2000x1024xf32, #tpu.memory_space<vmem>>, %arg2: memref<2x1024xf32, #tpu.memory_space<vmem>>, %arg3: memref<1x1024xf32, #tpu.memory_space<vmem>>, %arg4: memref<1x1024xf32, #tpu.memory_space<vmem>>, %arg5: memref<1024x512xf32, #tpu.memory_space<vmem>>, %arg6: memref<1x512xf32, #tpu.memory_space<vmem>>, %arg7: memref<2000x512xf32, #tpu.memory_space<vmem>>, %arg8: memref<2x512xf32, #tpu.memory_space<vmem>>) attributes {dimension_semantics = [#tpu.dimension_semantics<arbitrary>], iteration_bounds = array<i64: 5>, scalar_prefetch = 0 : i64, scratch_operands = 0 : i64, tpu.core_type = #tpu.core_type<tc>, window_params = [{transform_indices = @transform_0, window_bounds = array<i64: 2000, 1024>}, {pipeline_mode = #tpu.pipeline_mode<synchronous>, transform_indices = @transform_1, window_bounds = array<i64: 2, 1024>}, {pipeline_mode = #tpu.pipeline_mode<synchronous>, transform_indices = @transform_2, window_bounds = array<i64: 1, 1024>}, {pipeline_mode = #tpu.pipeline_mode<synchronous>, transform_indices = @transform_3, window_bounds = array<i64: 1, 1024>}, {pipeline_mode = #tpu.pipeline_mode<synchronous>, transform_indices = @transform_4, window_bounds = array<i64: 1024, 512>}, {pipeline_mode = #tpu.pipeline_mode<synchronous>, transform_indices = @transform_5, window_bounds = array<i64: 1, 512>}, {transform_indices = @transform_6, window_bounds = array<i64: 2000, 512>}, {pipeline_mode = #tpu.pipeline_mode<synchronous>, transform_indices = @transform_7, window_bounds = array<i64: 2, 512>}]} {
    %get3A = arith.constant 0 : index
    %get3A_0 = arith.constant 0 : index
    %get3A_1 = vector.load %arg2[%get3A, %get3A_0] : memref<2x1024xf32, #tpu.memory_space<vmem>>, vector<1x1024xf32>
    %get3A_2 = vector.shape_cast %get3A_1 : vector<1x1024xf32> to vector<1024xf32>
    %div3A = arith.constant 1.000000e+04 : f32
    %div3A_3 = vector.broadcast %div3A : f32 to vector<1024xf32>
    %div3A_4 = arith.divf %get3A_2, %div3A_3 : vector<1024xf32>
    %get3A_5 = arith.constant 1 : index
    %get3A_6 = arith.constant 0 : index
    %get3A_7 = vector.load %arg2[%get3A_5, %get3A_6] : memref<2x1024xf32, #tpu.memory_space<vmem>>, vector<1x1024xf32>
    %get3A_8 = vector.shape_cast %get3A_7 : vector<1x1024xf32> to vector<1024xf32>
    %div3A_9 = arith.constant 1.000000e+04 : f32
    %div3A_10 = vector.broadcast %div3A_9 : f32 to vector<1024xf32>
    %div3A_11 = arith.divf %get3A_8, %div3A_10 : vector<1024xf32>
    %mul3A = arith.mulf %div3A_4, %div3A_4 : vector<1024xf32>
    %sub3A = arith.subf %div3A_11, %mul3A : vector<1024xf32>
    %add3A = arith.constant 9.99999974E-6 : f32
    %add3A_12 = vector.broadcast %add3A : f32 to vector<1024xf32>
    %add3A_13 = arith.addf %sub3A, %add3A_12 : vector<1024xf32>
    %rsqrt3A = math.rsqrt %add3A_13 : vector<1024xf32>
    %get3A_14 = arith.constant 0 : index
    %get3A_15 = arith.constant 0 : index
    %get3A_16 = vector.load %arg1[%get3A_14, %get3A_15] : memref<2000x1024xf32, #tpu.memory_space<vmem>>, vector<2000x1024xf32>
    %broadcast_in_dim3A = vector.shape_cast %div3A_4 : vector<1024xf32> to vector<1x1024xf32>
    %sub3A_17 = vector.broadcast %broadcast_in_dim3A : vector<1x1024xf32> to vector<2000x1024xf32>
    %sub3A_18 = arith.subf %get3A_16, %sub3A_17 : vector<2000x1024xf32>
    %get3A_19 = arith.constant 0 : index
    %get3A_20 = arith.constant 0 : index
    %get3A_21 = vector.load %arg3[%get3A_19, %get3A_20] : memref<1x1024xf32, #tpu.memory_space<vmem>>, vector<1x1024xf32>
    %get3A_22 = vector.shape_cast %get3A_21 : vector<1x1024xf32> to vector<1024xf32>
    %mul3A_23 = arith.mulf %rsqrt3A, %get3A_22 : vector<1024xf32>
    %broadcast_in_dim3A_24 = vector.shape_cast %mul3A_23 : vector<1024xf32> to vector<1x1024xf32>
    %mul3A_25 = vector.broadcast %broadcast_in_dim3A_24 : vector<1x1024xf32> to vector<2000x1024xf32>
    %mul3A_26 = arith.mulf %sub3A_18, %mul3A_25 : vector<2000x1024xf32>
    %get3A_27 = arith.constant 0 : index
    %get3A_28 = arith.constant 0 : index
    %get3A_29 = vector.load %arg4[%get3A_27, %get3A_28] : memref<1x1024xf32, #tpu.memory_space<vmem>>, vector<1x1024xf32>
    %add3A_30 = vector.broadcast %get3A_29 : vector<1x1024xf32> to vector<2000x1024xf32>
    %add3A_31 = arith.addf %mul3A_26, %add3A_30 : vector<2000x1024xf32>
    %max3A = arith.constant 0.000000e+00 : f32
    %max3A_32 = vector.broadcast %max3A : f32 to vector<2000x1024xf32>
    %max3A_33 = arith.maximumf %add3A_31, %max3A_32 : vector<2000x1024xf32>
    %get3A_34 = arith.constant 0 : index
    %get3A_35 = arith.constant 0 : index
    %get3A_36 = vector.load %arg5[%get3A_34, %get3A_35] : memref<1024x512xf32, #tpu.memory_space<vmem>>, vector<1024x512xf32>
    %dot_general3A = arith.constant dense<0.000000e+00> : vector<2000x512xf32>
    %dot_general3A_37 = tpu.matmul %max3A_33, %get3A_36, %dot_general3A {dimension_numbers = #tpu.dot_dimension_numbers<[1], [0], [0], [1], [0, 0, 1, 1], [], []>, transpose_lhs_hint = false} : vector<2000x1024xf32>, vector<1024x512xf32>, vector<2000x512xf32> -> vector<2000x512xf32>
    %get3A_38 = arith.constant 0 : index
    %get3A_39 = arith.constant 0 : index
    %get3A_40 = vector.load %arg6[%get3A_38, %get3A_39] : memref<1x512xf32, #tpu.memory_space<vmem>>, vector<1x512xf32>
    %add3A_41 = vector.broadcast %get3A_40 : vector<1x512xf32> to vector<2000x512xf32>
    %add3A_42 = arith.addf %dot_general3A_37, %add3A_41 : vector<2000x512xf32>
    %swap3A = arith.constant 0 : index
    %swap3A_43 = arith.constant 0 : index
    %swap3A_44 = vector.load %arg7[%swap3A, %swap3A_43] : memref<2000x512xf32, #tpu.memory_space<vmem>>, vector<2000x512xf32>
    tpu.vector_store %arg7[%swap3A, %swap3A_43], %add3A_42 {strides = array<i32>} : memref<2000x512xf32, #tpu.memory_space<vmem>>, vector<2000x512xf32>,
    %reduce_sum3A = arith.constant dense<0.000000e+00> : vector<512xf32>
    %reduce_sum3A_45 = vector.multi_reduction <add>, %add3A_42, %reduce_sum3A [0] : vector<2000x512xf32> to vector<512xf32>
    %broadcast_in_dim3A_46 = vector.shape_cast %reduce_sum3A_45 : vector<512xf32> to vector<1x512xf32>
    %mul3A_47 = arith.mulf %add3A_42, %add3A_42 : vector<2000x512xf32>
    %reduce_sum3A_48 = arith.constant dense<0.000000e+00> : vector<512xf32>
    %reduce_sum3A_49 = vector.multi_reduction <add>, %mul3A_47, %reduce_sum3A_48 [0] : vector<2000x512xf32> to vector<512xf32>
    %broadcast_in_dim3A_50 = vector.shape_cast %reduce_sum3A_49 : vector<512xf32> to vector<1x512xf32>
    %concatenate3A = tpu.concatenate %broadcast_in_dim3A_46, %broadcast_in_dim3A_50 in 0 : vector<1x512xf32>, vector<1x512xf32> -> vector<2x512xf32>
    %eq3A = arith.constant 0 : i32
    %eq3A_51 = arith.cmpi eq, %arg0, %eq3A : i32
    %convert_element_type3A = arith.extui %eq3A_51 : i1 to i32
    %cond3A = arith.constant 0 : i32
    %cond3A_52 = arith.cmpi ne, %convert_element_type3A, %cond3A : i32
    scf.if %cond3A_52 {
      %broadcast_in_dim3A_60 = arith.constant 0.000000e+00 : f32
      %broadcast_in_dim3A_61 = vector.broadcast %broadcast_in_dim3A_60 : f32 to vector<2x512xf32>
      %swap3A_62 = arith.constant 0 : index
      %swap3A_63 = arith.constant 0 : index
      %swap3A_64 = vector.load %arg8[%swap3A_62, %swap3A_63] : memref<2x512xf32, #tpu.memory_space<vmem>>, vector<2x512xf32>
      tpu.vector_store %arg8[%swap3A_62, %swap3A_63], %broadcast_in_dim3A_61 {strides = array<i32>} : memref<2x512xf32, #tpu.memory_space<vmem>>, vector<2x512xf32>,
    } else {
    }
    %get3A_53 = arith.constant 0 : index
    %get3A_54 = arith.constant 0 : index
    %get3A_55 = vector.load %arg8[%get3A_53, %get3A_54] : memref<2x512xf32, #tpu.memory_space<vmem>>, vector<2x512xf32>
    %add3A_56 = arith.addf %get3A_55, %concatenate3A : vector<2x512xf32>
    %swap3A_57 = arith.constant 0 : index
    %swap3A_58 = arith.constant 0 : index
    %swap3A_59 = vector.load %arg8[%swap3A_57, %swap3A_58] : memref<2x512xf32, #tpu.memory_space<vmem>>, vector<2x512xf32>
    tpu.vector_store %arg8[%swap3A_57, %swap3A_58], %add3A_56 {strides = array<i32>} : memref<2x512xf32, #tpu.memory_space<vmem>>, vector<2x512xf32>,
    return
  }
  func.func @transform_0(%arg0: i32) -> (i32, i32) {
    %c0_i32 = arith.constant 0 : i32
    %c0_i32_0 = arith.constant 0 : i32
    return %arg0, %c0_i32 : i32, i32
  }
  func.func @transform_1(%arg0: i32) -> (i32, i32) {
    %c0_i32 = arith.constant 0 : i32
    %c0_i32_0 = arith.constant 0 : i32
    %c0_i32_1 = arith.constant 0 : i32
    return %c0_i32, %c0_i32_0 : i32, i32
  }
  func.func @transform_2(%arg0: i32) -> (i32, i32) {
    %c0_i32 = arith.constant 0 : i32
    %c0_i32_0 = arith.constant 0 : i32
    %c0_i32_1 = arith.constant 0 : i32
    return %c0_i32, %c0_i32_0 : i32, i32
  }
  func.func @transform_3(%arg0: i32) -> (i32, i32) {
    %c0_i32 = arith.constant 0 : i32
    %c0_i32_0 = arith.constant 0 : i32
    %c0_i32_1 = arith.constant 0 : i32
    return %c0_i32, %c0_i32_0 : i32, i32
  }
  func.func @transform_4(%arg0: i32) -> (i32, i32) {
    %c0_i32 = arith.constant 0 : i32
    %c0_i32_0 = arith.constant 0 : i32
    %c0_i32_1 = arith.constant 0 : i32
    return %c0_i32, %c0_i32_0 : i32, i32
  }
  func.func @transform_5(%arg0: i32) -> (i32, i32) {
    %c0_i32 = arith.constant 0 : i32
    %c0_i32_0 = arith.constant 0 : i32
    %c0_i32_1 = arith.constant 0 : i32
    return %c0_i32, %c0_i32_0 : i32, i32
  }
  func.func @transform_6(%arg0: i32) -> (i32, i32) {
    %c0_i32 = arith.constant 0 : i32
    %c0_i32_0 = arith.constant 0 : i32
    return %arg0, %c0_i32 : i32, i32
  }
  func.func @transform_7(%arg0: i32) -> (i32, i32) {
    %c0_i32 = arith.constant 0 : i32
    %c0_i32_0 = arith.constant 0 : i32
    %c0_i32_1 = arith.constant 0 : i32
    return %c0_i32, %c0_i32_0 : i32, i32
  }
}

module attributes {stable_mosaic.version = 14 : i64} {
  func.func @body(%arg0: i32, %arg1: memref<2000x512xf32, #tpu.memory_space<vmem>>, %arg2: memref<2x512xf32, #tpu.memory_space<vmem>>, %arg3: memref<1x512xf32, #tpu.memory_space<vmem>>, %arg4: memref<1x512xf32, #tpu.memory_space<vmem>>, %arg5: memref<512x100xf32, #tpu.memory_space<vmem>>, %arg6: memref<1x100xf32, #tpu.memory_space<vmem>>, %arg7: memref<2000x100xf32, #tpu.memory_space<vmem>>) attributes {dimension_semantics = [#tpu.dimension_semantics<arbitrary>], iteration_bounds = array<i64: 5>, scalar_prefetch = 0 : i64, scratch_operands = 0 : i64, tpu.core_type = #tpu.core_type<tc>, window_params = [{transform_indices = @transform_0, window_bounds = array<i64: 2000, 512>}, {pipeline_mode = #tpu.pipeline_mode<synchronous>, transform_indices = @transform_1, window_bounds = array<i64: 2, 512>}, {pipeline_mode = #tpu.pipeline_mode<synchronous>, transform_indices = @transform_2, window_bounds = array<i64: 1, 512>}, {pipeline_mode = #tpu.pipeline_mode<synchronous>, transform_indices = @transform_3, window_bounds = array<i64: 1, 512>}, {pipeline_mode = #tpu.pipeline_mode<synchronous>, transform_indices = @transform_4, window_bounds = array<i64: 512, 100>}, {pipeline_mode = #tpu.pipeline_mode<synchronous>, transform_indices = @transform_5, window_bounds = array<i64: 1, 100>}, {transform_indices = @transform_6, window_bounds = array<i64: 2000, 100>}]} {
    %get3A = arith.constant 0 : index
    %get3A_0 = arith.constant 0 : index
    %get3A_1 = vector.load %arg2[%get3A, %get3A_0] : memref<2x512xf32, #tpu.memory_space<vmem>>, vector<1x512xf32>
    %get3A_2 = vector.shape_cast %get3A_1 : vector<1x512xf32> to vector<512xf32>
    %div3A = arith.constant 1.000000e+04 : f32
    %div3A_3 = vector.broadcast %div3A : f32 to vector<512xf32>
    %div3A_4 = arith.divf %get3A_2, %div3A_3 : vector<512xf32>
    %get3A_5 = arith.constant 1 : index
    %get3A_6 = arith.constant 0 : index
    %get3A_7 = vector.load %arg2[%get3A_5, %get3A_6] : memref<2x512xf32, #tpu.memory_space<vmem>>, vector<1x512xf32>
    %get3A_8 = vector.shape_cast %get3A_7 : vector<1x512xf32> to vector<512xf32>
    %div3A_9 = arith.constant 1.000000e+04 : f32
    %div3A_10 = vector.broadcast %div3A_9 : f32 to vector<512xf32>
    %div3A_11 = arith.divf %get3A_8, %div3A_10 : vector<512xf32>
    %mul3A = arith.mulf %div3A_4, %div3A_4 : vector<512xf32>
    %sub3A = arith.subf %div3A_11, %mul3A : vector<512xf32>
    %add3A = arith.constant 9.99999974E-6 : f32
    %add3A_12 = vector.broadcast %add3A : f32 to vector<512xf32>
    %add3A_13 = arith.addf %sub3A, %add3A_12 : vector<512xf32>
    %rsqrt3A = math.rsqrt %add3A_13 : vector<512xf32>
    %get3A_14 = arith.constant 0 : index
    %get3A_15 = arith.constant 0 : index
    %get3A_16 = vector.load %arg1[%get3A_14, %get3A_15] : memref<2000x512xf32, #tpu.memory_space<vmem>>, vector<2000x512xf32>
    %broadcast_in_dim3A = vector.shape_cast %div3A_4 : vector<512xf32> to vector<1x512xf32>
    %sub3A_17 = vector.broadcast %broadcast_in_dim3A : vector<1x512xf32> to vector<2000x512xf32>
    %sub3A_18 = arith.subf %get3A_16, %sub3A_17 : vector<2000x512xf32>
    %get3A_19 = arith.constant 0 : index
    %get3A_20 = arith.constant 0 : index
    %get3A_21 = vector.load %arg3[%get3A_19, %get3A_20] : memref<1x512xf32, #tpu.memory_space<vmem>>, vector<1x512xf32>
    %get3A_22 = vector.shape_cast %get3A_21 : vector<1x512xf32> to vector<512xf32>
    %mul3A_23 = arith.mulf %rsqrt3A, %get3A_22 : vector<512xf32>
    %broadcast_in_dim3A_24 = vector.shape_cast %mul3A_23 : vector<512xf32> to vector<1x512xf32>
    %mul3A_25 = vector.broadcast %broadcast_in_dim3A_24 : vector<1x512xf32> to vector<2000x512xf32>
    %mul3A_26 = arith.mulf %sub3A_18, %mul3A_25 : vector<2000x512xf32>
    %get3A_27 = arith.constant 0 : index
    %get3A_28 = arith.constant 0 : index
    %get3A_29 = vector.load %arg4[%get3A_27, %get3A_28] : memref<1x512xf32, #tpu.memory_space<vmem>>, vector<1x512xf32>
    %add3A_30 = vector.broadcast %get3A_29 : vector<1x512xf32> to vector<2000x512xf32>
    %add3A_31 = arith.addf %mul3A_26, %add3A_30 : vector<2000x512xf32>
    %max3A = arith.constant 0.000000e+00 : f32
    %max3A_32 = vector.broadcast %max3A : f32 to vector<2000x512xf32>
    %max3A_33 = arith.maximumf %add3A_31, %max3A_32 : vector<2000x512xf32>
    %get3A_34 = arith.constant 0 : index
    %get3A_35 = arith.constant 0 : index
    %get3A_36 = vector.load %arg5[%get3A_34, %get3A_35] : memref<512x100xf32, #tpu.memory_space<vmem>>, vector<512x100xf32>
    %dot_general3A = arith.constant dense<0.000000e+00> : vector<2000x100xf32>
    %dot_general3A_37 = tpu.matmul %max3A_33, %get3A_36, %dot_general3A {dimension_numbers = #tpu.dot_dimension_numbers<[1], [0], [0], [1], [0, 0, 1, 1], [], []>, transpose_lhs_hint = false} : vector<2000x512xf32>, vector<512x100xf32>, vector<2000x100xf32> -> vector<2000x100xf32>
    %get3A_38 = arith.constant 0 : index
    %get3A_39 = arith.constant 0 : index
    %get3A_40 = vector.load %arg6[%get3A_38, %get3A_39] : memref<1x100xf32, #tpu.memory_space<vmem>>, vector<1x100xf32>
    %add3A_41 = vector.broadcast %get3A_40 : vector<1x100xf32> to vector<2000x100xf32>
    %add3A_42 = arith.addf %dot_general3A_37, %add3A_41 : vector<2000x100xf32>
    %swap3A = arith.constant 0 : index
    %swap3A_43 = arith.constant 0 : index
    %swap3A_44 = vector.load %arg7[%swap3A, %swap3A_43] : memref<2000x100xf32, #tpu.memory_space<vmem>>, vector<2000x100xf32>
    tpu.vector_store %arg7[%swap3A, %swap3A_43], %add3A_42 {strides = array<i32>} : memref<2000x100xf32, #tpu.memory_space<vmem>>, vector<2000x100xf32>,
    return
  }
  func.func @transform_0(%arg0: i32) -> (i32, i32) {
    %c0_i32 = arith.constant 0 : i32
    %c0_i32_0 = arith.constant 0 : i32
    return %arg0, %c0_i32 : i32, i32
  }
  func.func @transform_1(%arg0: i32) -> (i32, i32) {
    %c0_i32 = arith.constant 0 : i32
    %c0_i32_0 = arith.constant 0 : i32
    %c0_i32_1 = arith.constant 0 : i32
    return %c0_i32, %c0_i32_0 : i32, i32
  }
  func.func @transform_2(%arg0: i32) -> (i32, i32) {
    %c0_i32 = arith.constant 0 : i32
    %c0_i32_0 = arith.constant 0 : i32
    %c0_i32_1 = arith.constant 0 : i32
    return %c0_i32, %c0_i32_0 : i32, i32
  }
  func.func @transform_3(%arg0: i32) -> (i32, i32) {
    %c0_i32 = arith.constant 0 : i32
    %c0_i32_0 = arith.constant 0 : i32
    %c0_i32_1 = arith.constant 0 : i32
    return %c0_i32, %c0_i32_0 : i32, i32
  }
  func.func @transform_4(%arg0: i32) -> (i32, i32) {
    %c0_i32 = arith.constant 0 : i32
    %c0_i32_0 = arith.constant 0 : i32
    %c0_i32_1 = arith.constant 0 : i32
    return %c0_i32, %c0_i32_0 : i32, i32
  }
  func.func @transform_5(%arg0: i32) -> (i32, i32) {
    %c0_i32 = arith.constant 0 : i32
    %c0_i32_0 = arith.constant 0 : i32
    %c0_i32_1 = arith.constant 0 : i32
    return %c0_i32, %c0_i32_0 : i32, i32
  }
  func.func @transform_6(%arg0: i32) -> (i32, i32) {
    %c0_i32 = arith.constant 0 : i32
    %c0_i32_0 = arith.constant 0 : i32
    return %arg0, %c0_i32 : i32, i32
  }
}

</mosaic_0001>

<sc_bundles>
// kernel: kernel.11.cloned.1.call-start
scs
__scs_entry_jumppad:
0x0: {  	(pc) =	sbr.rel $0x88, $3  }
0x1: {  	(tag) =	ssettag $0x0;
	lr =	simm.s32 $0x1  }
0x2: {  	[smem:$0x3F8E] =	sst lr;
	_ =	strace $0xD0000000  }
0x3: {  	_ = 	snop  }
0x4: {  	_ = 	snop  }
0x5: {  	_ = 	snop  }
0x6: {  	_ = 	snop  }
0x7: {  	_ = 	snop  }
__scs_overlays_trampoline_lowered:
0x8: {  	[smem:$0x3F9D] =	sst s0  }
0x9: {  	[smem:$0x3F9E] =	sst s1  }
0xa: {  	[smem:$0x3F9F] =	sst s2  }
0xb: {  	[smem:$0x3FA0] =	sst s3  }
0xc: {  	[smem:$0x3FA1] =	sst s4  }
0xd: {  	[smem:$0x3FA2] =	sst s5  }
0xe: {  	[smem:$0x3FA3] =	sst s6  }
0xf: {  	[smem:$0x3FA4] =	sst s7  }
0x10: {  	[smem:$0x3FA5] =	sst s8  }
0x11: {  	[smem:$0x3FA6] =	sst s9;
	s0 =	simm.s32 @!p0 $0x0  }
0x12: {  	s1 =	sld [smem:$0x3F8C];
	s0 =	simm.s32 @p0 $0x1  }
0x13: {  	[smem:$0x3FA7] =	sst s0;
	s0 =	simm.s32 @!p1 $0x0  }
0x14: {  	s2 =	sld [smem:$0x3F8B];
	s0 =	simm.s32 @p1 $0x1  }
0x15: {  	[smem:$0x3FA8] =	sst s0;
	s0 =	simm.s32 @!p2 $0x0  }
0x16: {  	s3 =	sld [smem:$0x3FDB];
	s0 =	simm.s32 @p2 $0x1  }
0x17: {  	s4 =	simm.s32 $0x1BF5;
	[smem:$0x3FAA] =	sst s0  }
0x18: {  	s0 =	sld [smem:$0x3F8D];
	_ =	swait.ge [sflag:s4], $0x0  }
0x19: {  	s7 =	sld [smem:$0x3F8E]  }
0x1a: {  	s8 =	sadd.s32 $0xFFFFE003, lr  }
0x1b: {  	s9 =	sadd.s32 $0xFFFFFEF7, lr;
	s5 =	simm.s32 $0xFFFFFFFF;
	p2 =	slt.u32 s8, $0xFFFFF086  }
0x1c: {  	p1 =	slt.u32 s9, $0xF7A;
	s5 =	simm.s32 @!p2 $0x0  }
0x1d: {  	s5 =	simm.s32 @p1 $0x1;
	p0 =	seq.s32 s7, s2  }
0x1e: {  	s7 =	smul.u32 @!p0 $0xF7A, s2;
	p2 =	seq.s32 @!p0 s5, $0x0  }
0x1f: {  	s9 =	smul.u32 $0xF7A, s1;
	s8 =	simm.s32 @!p0 $0x1BF5;
	p2 =	por !p2, p0  }
0x20: {  	[sflag:s8] =	ssyncset.s32 @!p0 $0xFFFFF086;
	s6 =	sadd.s32 @!p0 s3, s7;
	s7 =	simm.s32 @!p0 $0x108  }
0x21: {  	s3 =	sadd.s32 s3, s9;
	s6 =	sadd.s32 @!p0 $0x88, s6;
	s7 =	simm.s32 @p2 $0x1082  }
0x22: {  	[simem:s7], [sflag:s8] =	dma.local @!p0 [hbm:s6], $0xF7A  }
0x23: {  	s9 =	sor.u32 $0xD0000000, s2;
	s6 =	simm.s32 $0x108;
	_ =	swait.ge @!p0 [sflag:s8], $0x0  }
0x24: {  	s3 =	sadd.s32 $0x88, s3;
	s6 =	simm.s32 @!p1 $0x1082;
	[sflag:s4] =	ssyncset.s32 $0xFFFFF086  }
0x25: {  	[simem:s6], [sflag:s4] =	dma.local [hbm:s3], $0xF7A  }
0x26: {  	[smem:$0x3F8E] =	sst s1;
	(tag) =	ssettag s2;
	_ =	strace s9  }
0x27: {  	s1 =	sld [smem:$0x3F9E]  }
0x28: {  	s2 =	sld [smem:$0x3F9F]  }
0x29: {  	s4 =	sld [smem:$0x3FA1]  }
0x2a: {  	p0 =	seq.s32 s5, $0x0;
	s5 =	sld [smem:$0x3FA2]  }
0x2b: {  	s6 =	sld [smem:$0x3FA3]  }
0x2c: {  	s7 =	sld [smem:$0x3FA4]  }
0x2d: {  	s3 =	simm.s32 $0x108;
	s8 =	sld [smem:$0x3FA5]  }
0x2e: {  	s3 =	simm.s32 @!p0 $0x1082;
	s9 =	sld [smem:$0x3FA6]  }
0x2f: {  	lr =	sadd.s32 s0, s3;
	s0 =	sld [smem:$0x3F9D]  }
0x30: {  	s3 =	sld [smem:$0x3FA0]  }
0x31: {  	[smem:$0x3FA9] =	sst s10  }
0x32: {  	s10 =	sld [smem:$0x3FA7];
	_ =	sdelay $0x3  }
0x33: {  	p0 =	seq.s32 s10, $0x1;
	s10 =	sld [smem:$0x3FA9];
	_ =	sdelay $0x3  }
0x34: {  	[smem:$0x3FA9] =	sst s10  }
0x35: {  	s10 =	sld [smem:$0x3FA8];
	_ =	sdelay $0x3  }
0x36: {  	p1 =	seq.s32 s10, $0x1;
	s10 =	sld [smem:$0x3FA9];
	_ =	sdelay $0x3  }
0x37: {  	[smem:$0x3FA9] =	sst s10  }
0x38: {  	s10 =	sld [smem:$0x3FAA]  }
0x39: {  	_ = 	snop;
	(pc) =	sbr.ind lr, $3  }
0x3a: {  	_ = 	snop  }
0x3b: {  	_ = 	snop  }
0x3c: {  	p2 =	seq.s32 s10, $0x1;
	s10 =	sld [smem:$0x3FA9]  }
0x3d: {  	_ =	shalt  }
0x3e: {  	_ =	shalt  }
0x3f: {  	_ =	shalt  }
0x40: {  	_ =	shalt  }
0x41: {  	_ =	shalt  }
0x42: {  	_ =	shalt  }
0x43: {  	_ =	shalt  }
0x44: {  	_ =	shalt  }
0x45: {  	_ =	shalt  }
0x46: {  	_ =	shalt  }
0x47: {  	_ =	shalt  }
0x48: {  	_ =	shalt  }
0x49: {  	_ =	shalt  }
0x4a: {  	_ =	shalt  }
0x4b: {  	_ =	shalt  }
0x4c: {  	_ =	shalt  }
0x4d: {  	_ =	shalt  }
0x4e: {  	_ =	shalt  }
0x4f: {  	_ =	shalt  }
0x50: {  	_ =	shalt  }
0x51: {  	_ =	shalt  }
0x52: {  	_ =	shalt  }
0x53: {  	_ =	shalt  }
0x54: {  	_ =	shalt  }
0x55: {  	_ =	shalt  }
0x56: {  	_ =	shalt  }
0x57: {  	_ =	shalt  }
0x58: {  	_ =	shalt  }
0x59: {  	_ =	shalt  }
0x5a: {  	_ =	shalt  }
0x5b: {  	_ =	shalt  }
0x5c: {  	_ =	shalt  }
0x5d: {  	_ =	shalt  }
0x5e: {  	_ =	shalt  }
0x5f: {  	_ =	shalt  }
0x60: {  	_ =	shalt  }
0x61: {  	_ =	shalt  }
0x62: {  	_ =	shalt  }
0x63: {  	_ =	shalt  }
0x64: {  	_ =	shalt  }
0x65: {  	_ =	shalt  }
0x66: {  	_ =	shalt  }
0x67: {  	_ =	shalt  }
0x68: {  	_ =	shalt  }
0x69: {  	_ =	shalt  }
0x6a: {  	_ =	shalt  }
0x6b: {  	_ =	shalt  }
0x6c: {  	_ =	shalt  }
0x6d: {  	_ =	shalt  }
0x6e: {  	_ =	shalt  }
0x6f: {  	_ =	shalt  }
0x70: {  	_ =	shalt  }
0x71: {  	_ =	shalt  }
0x72: {  	_ =	shalt  }
0x73: {  	_ =	shalt  }
0x74: {  	_ =	shalt  }
0x75: {  	_ =	shalt  }
0x76: {  	_ =	shalt  }
0x77: {  	_ =	shalt  }
0x78: {  	_ =	shalt  }
0x79: {  	_ =	shalt  }
0x7a: {  	_ =	shalt  }
0x7b: {  	_ =	shalt  }
0x7c: {  	_ =	shalt  }
0x7d: {  	_ =	shalt  }
0x7e: {  	_ =	shalt  }
0x7f: {  	_ =	shalt  }
0x80: {  	_ =	shalt  }
0x81: {  	_ =	shalt  }
0x82: {  	_ =	shalt  }
0x83: {  	_ =	shalt  }
0x84: {  	_ =	shalt  }
0x85: {  	_ =	shalt  }
0x86: {  	_ =	shalt  }
0x87: {  	_ =	shalt  }
.Lfunc_end0:
.L_simem_size_0:
called_computation.1_lowered:
.L_overlay_start_0:
0x88: {  	s2 =	sld [smem:$0x3FD9]  }
0x89: {  	s3 =	sld [smem:$0x3FFE];
	_ =	sdelay $0x1  }
0x8a: {  	s1 =	srdreg.scid  }
0x8b: {  	s0 =	sand.u32 $0x1, s1  }
0x8c: {  	s17 =	sshll.u32 s0, $0xA;
	s2 =	sadd.s32 s3, s2  }
0x8d: {  	s2 =	sadd.s32 s2, s17  }
0x8e: {  	[smem:$0x3FB5] =	sst s2  }
0x8f: {  	_ = 	snop  }
0x90: {  	s2 =	sld [smem:$0x3FD0];
	(tm) =	ssettm $0x1  }
0x91: {  	s18 =	sld [smem:$0x3FFB];
	_ =	sdelay $0x3  }
0x92: {  	_ =	strace s18  }
0x93: {  	s3 =	sld [smem:$0x3FFC];
	_ =	sdelay $0x3  }
0x94: {  	_ =	strace s3  }
0x95: {  	s3 =	sld [smem:$0x3FFD];
	_ =	sdelay $0x3  }
0x96: {  	_ =	strace s3  }
0x97: {  	_ =	strace $0x8FFFFFFF  }
0x98: {  	s19 =	sld [smem:$0x3FDB];
	_ =	sdelay $0x1  }
0x99: {  	s4 =	simm.s32 $_scs_section_size  }
0x9a: {  	s5 =	simm.s32 $_size__tile_overlayer_lowered;
	s6 =	simm.s32 $_tile_overlayer_lowered  }
0x9b: {  	s22 =	simm.s32 $0x1BFF;
	s21 =	sshll.u32 s6, $0x1;
	s3 =	sadd.s32 s4, s19  }
0x9c: {  	s7 =	simm.s32 $0x0;
	s20 =	sshll.u32 s5, $0x1;
	s5 =	sadd.s32 s21, s3  }
0x9d: {  	[timem:s7], [sflag:s22] =	dma.local [hbm:s5], s20  }
0x9e: {  	_ =	swait.ge [sflag:s22], s20  }
0x9f: {  	s4 =	ssub.s32 $0x0, s20;
	[sflag:s22] =	ssyncset.done $0x0  }
0xa0: {  	[sflag:s22] =	ssyncadd.s32 s4;
	_ =	sdelay $0x1  }
0xa1: {  	s23 =	simm.s32 $0x1B8B  }
0xa2: {  	_ =	swait.ge [sflag:s23], $0x1  }
0xa3: {  	[sflag:s23] =	ssyncset.done $0x0  }
0xa4: {  	s25 =	simm.s32 $0x1B8E;
	s24 =	sld [smem:$0x3FFE];
	[sflag:s23] =	ssyncadd.s32 $0xFFFFFFFF  }
0xa5: {  	s26 =	simm.s32 $execute0_lowered;
	[smem:$0x3FD2] =	sst s25  }
0xa6: {  	s5 =	sshll.u32 s26, $0x1;
	_ =	strace $0x80000049;
	[dreg:$0x1] =	wrdreg $0xFFFFFFFF  }
0xa7: {  	s28 =	simm.s32 $_size_execute0_lowered;
	s3 =	sadd.s32 s3, s5;
	[dreg:$0x0] =	wrdreg $0x0  }
0xa8: {  	s5 =	sshll.u32 s28, $0x1;
	[dreg:$0x2] =	wrdreg s3  }
0xa9: {  	[dreg:$0x3] =	wrdreg s5  }
0xaa: {  	[dreg:$0x4] =	wrdreg $0xC0  }
0xab: {  	_ =	task [dreg:s7], $0x5FFFF  }
0xac: {  	[dreg:$0x1] =	wrdreg $0xFFFFFFFF  }
0xad: {  	[dreg:$0x0] =	wrdreg $0x60  }
0xae: {  	[dreg:$0x2] =	wrdreg s24  }
0xaf: {  	[dreg:$0x3] =	wrdreg s2  }
0xb0: {  	[dreg:$0x4] =	wrdreg $0x84000  }
0xb1: {  	[dreg:$0x5] =	wrdreg $0x9  }
0xb2: {  	_ =	task.clear_ibuf [dreg:s7], $0x6FFFF;
	_ =	strace $0x90000049  }
0xb3: {  	s29 =	simm.s32 $0x9;
	_ =	strace $0x8000004B  }
0xb4: {  	_ =	swait.ge [sflag:s29], $0x1  }
0xb5: {  	[sflag:s29] =	ssyncadd.s32 $0xFFFFFFFF  }
0xb6: {  	_ =	strace $0x9000004B  }
0xb7: {  	_ =	sfence  }
0xb8: {  	s30 =	sld [smem:$0x0];
	_ =	sdelay $0x2  }
0xb9: {  	s31 =	sshll.u32 s1, $0xD;
	s1 =	sshrl.u32 s1, $0x2  }
0xba: {  	s3 =	sand.u32 $0x4000, s31;
	s1 =	sadd.s32 s1, s30  }
0xbb: {  	s0 =	sor.u32 s3, s0;
	s1 =	sshll.u32 s1, $0x11  }
0xbc: {  	s0 =	sor.u32 s1, s0  }
0xbd: {  	s0 =	sadd.s32 $0x8F2B, s0  }
0xbe: {  	[sflag:s0] =	ssyncadd.remote.s32 $0x1  }
0xbf: {  	_ =	sfence.sel $0xFFFF  }
0xc0: {  	[dreg:$0x0] =	wrdreg $0xFFFFFFFF;
	(pc) =	sbr.abs _section_cstart, $3  }
0xc1: {  	[dreg:$0x1] =	wrdreg $0xFFFFFFFF  }
0xc2: {  	_ =	task.clear_ibuf [dreg:s7], $0x2FFFF;
	_ =	strace $0x9FFFFFFF  }
0xc3: {  	(tm) =	ssettm $0x7FFFFFFF  }
tec
execute0_lowered:
.L_overlay_start_1:
0x0: {  	(tag) =	ssettag $0x1  }
0x1: {  	s5 =	rddreg [dreg:$0x0]  }
0x2: {  	s0 =	srdreg.scid;
	s16 =	rddreg [dreg:$0x1]  }
0x3: {  	s2 =	rddreg [dreg:$0x2];
	s1 =	stileid.u32;
	s3 =	simm.s32 $0x0  }
0x4: {  	s18 =	simm.s32 $0x2;
	s19 =	simm.s32 $0x2780;
	s20 =	simm.s32 $0x50  }
0x5: {  	s21 =	simm.s32 $0x2800;
	s22 =	simm.s32 $0x1;
	s23 =	simm.s32 $0x0  }
0x6: {  	s6 =	sand.u32 $0x1, s0;
	s0 =	rddreg [dreg:$0x3];
	s8 =	smul.u32 $0x4E000, s1  }
0x7: {  	[smem:$0x7FF] =	sst s3;
	s11 =	smul.u32 $0x2700, s1;
	s12 =	sadd.s32 $0x34800, s5  }
0x8: {  	s15 =	smul.u32 $0x2710, s1;
	p0 =	sne.s32 s1, $0xF;
	s4 =	sshll.u32 s6, $0x4  }
0x9: {  	_ =	strace $0x8000004A;
	s9 =	ssub.s32 $0x2, s6;
	s14 =	smul.u32 $0x27100, s6  }
0xa: {  	s29 =	smul.u32 $0x138800, s6;
	s4 =	sor.u32 s1, s4;
	s10 =	sshrl.u32 s9, $0x1  }
0xb: {  	s30 =	sshrl.u32 s8, $0x2;
	s7 =	smul.u32 $0x2710, s4;
	s4 =	sadd.s32 $0xD600, s5  }
0xc: {  	s10 =	ssub.s32 s9, s10;
	s31 =	sadd.s32 s11, s14;
	s9 =	sshrl.u32 s29, $0x3  }
0xd: {  	s17 =	sadd.s32 s15, s14;
	s8 =	sadd.s32 s12, s31;
	s9 =	sadd.s32 s12, s9  }
0xe: {  	s10 =	smax.u32 s10, $0x1;
	s17 =	sshrl.u32 s17, $0x3;
	s7 =	sshrl.u32 s7, $0x3  }
0xf: {  	s9 =	sadd.s32 $0x27000, s9;
	s16 =	sadd.s32 s17, s16;
	s7 =	sadd.s32 s7, s5  }
0x10: {  	s17 =	simm.s32 $0x5000;
	s6 =	sadd.s32 $0x3800, s7;
	s7 =	sadd.s32 s30, s2  }
0x11: {  	s5 =	sadd.s32 $0x138000, s2;
	s11 =	sadd.s32 $0x3400, s7;
	s12 =	sadd.s32 $0x6800, s7  }
0x12: {  	v0 =	vimm.f32 $0.0e+00;
	s13 =	sadd.s32 $0x9C00, s7;
	s14 =	sadd.s32 $0xD000, s7;
	s15 =	sadd.s32 $0x10400, s7  }
.LBB2_1:
0x13: {  	s24 =	simm.s32 $0x0;
	s25 =	simm.s32 $0x200  }
.LBB2_2:
0x14: {  	p1 =	sne.s32 s25, $0xCE00;
	[tilespmem:s24+$0x5070] =	vst v0  }
0x15: {  	[tilespmem:s24+$0x5000] =	vst v0  }
0x16: {  	[tilespmem:s24+$0x5010] =	vst v0  }
.Ltmp0:
0x17: {  	[tilespmem:s24+$0x5020] =	vst v0;
	(pc) =	sbr.rel @p1 .LBB2_2-.Ltmp0, $4  }
0x18: {  	[tilespmem:s24+$0x5030] =	vst v0  }
0x19: {  	[tilespmem:s24+$0x5040] =	vst v0  }
0x1a: {  	[tilespmem:s24+$0x5050] =	vst v0  }
0x1b: {  	[tilespmem:s24+$0x5060] =	vst v0;
	s24 =	sshra.s32 s25, $0x2;
	s25 =	sadd.s32 $0x200, s25  }
0x1c: {  	[tilespmem:s24+$0x5070] =	vst v0  }
0x1d: {  	[tilespmem:s24+$0x5000] =	vst v0  }
0x1e: {  	[tilespmem:s24+$0x5010] =	vst v0  }
0x1f: {  	[tilespmem:s24+$0x5020] =	vst v0  }
0x20: {  	[tilespmem:s24+$0x5030] =	vst v0  }
0x21: {  	[tilespmem:s24+$0x5040] =	vst v0  }
0x22: {  	[tilespmem:s24+$0x5050] =	vst v0  }
0x23: {  	[tilespmem:s24+$0x5060] =	vst v0  }
0x24: {  	[spmem:s7] =	stream.linear.scatter [tilespmem:s17], [sflag:$0x2], $0x3400, $0x38;
	[tilespmem:$0x1BC80] =	vst v63  }
0x25: {  	_ =	swait.ge [sflag:s18], $0x3400  }
0x26: {  	[sflag:s18] =	ssyncset.done $0x0  }
0x27: {  	[sflag:s18] =	ssyncadd.s32 $0xFFFFCC00  }
0x28: {  	[spmem:s11] =	stream.linear.scatter [tilespmem:s17], [sflag:$0x2], $0x3400, $0x38;
	[tilespmem:$0x1BC80] =	vst v63  }
0x29: {  	_ =	swait.ge [sflag:s18], $0x3400  }
0x2a: {  	[sflag:s18] =	ssyncset.done $0x0  }
0x2b: {  	[sflag:s18] =	ssyncadd.s32 $0xFFFFCC00  }
0x2c: {  	[spmem:s12] =	stream.linear.scatter [tilespmem:s17], [sflag:$0x2], $0x3400, $0x38;
	[tilespmem:$0x1BC80] =	vst v63  }
0x2d: {  	_ =	swait.ge [sflag:s18], $0x3400  }
0x2e: {  	[sflag:s18] =	ssyncset.done $0x0  }
0x2f: {  	[sflag:s18] =	ssyncadd.s32 $0xFFFFCC00  }
0x30: {  	[spmem:s13] =	stream.linear.scatter [tilespmem:s17], [sflag:$0x2], $0x3400, $0x38;
	[tilespmem:$0x1BC80] =	vst v63  }
0x31: {  	_ =	swait.ge [sflag:s18], $0x3400  }
0x32: {  	[sflag:s18] =	ssyncset.done $0x0  }
0x33: {  	[sflag:s18] =	ssyncadd.s32 $0xFFFFCC00  }
0x34: {  	[spmem:s14] =	stream.linear.scatter [tilespmem:s17], [sflag:$0x2], $0x3400, $0x38;
	[tilespmem:$0x1BC80] =	vst v63  }
0x35: {  	_ =	swait.ge [sflag:s18], $0x3400  }
0x36: {  	[sflag:s18] =	ssyncset.done $0x0  }
0x37: {  	[sflag:s18] =	ssyncadd.s32 $0xFFFFCC00  }
0x38: {  	[spmem:s15] =	stream.linear.scatter [tilespmem:s17], [sflag:$0x2], $0x3400, $0x38;
	[tilespmem:$0x1BC80] =	vst v63  }
0x39: {  	_ =	swait.ge [sflag:s18], $0x3400  }
0x3a: {  	[sflag:s18] =	ssyncset.done $0x0  }
0x3b: {  	s24 =	simm.s32 @!p0 $0x5000;
	[sflag:s18] =	ssyncadd.s32 $0xFFFFCC00  }
0x3c: {  	[spmem:s5] =	stream.linear.scatter @!p0 [tilespmem:s24], [sflag:$0x2], $0x800, $0x38;
	[tilespmem:$0x1BC80] =	vst v63  }
0x3d: {  	s24 =	simm.s32 @!p0 $0x2  }
0x3e: {  	_ =	swait.ge @!p0 [sflag:s24], $0x800  }
0x3f: {  	[sflag:s24] =	ssyncset.done @!p0 $0x0  }
0x40: {  	s31 =	simm.s32 $0x0;
	[sflag:s24] =	ssyncadd.s32 @!p0 $0xFFFFF800  }
0x41: {  	[tilespmem:s31], [sflag:$0x2] =	stream.linear.gather [hbm4b:s6+s31], $0x2710, $0x38;
	[tilespmem:$0x1BC80] =	vst v63  }
0x42: {  	_ =	swait.ge [sflag:s18], $0x2710  }
0x43: {  	[sflag:s18] =	ssyncset.done $0x0  }
0x44: {  	[sflag:s18] =	ssyncadd.s32 $0xFFFFD8F0  }
0x45: {  	s25 =	sadd.s32 $0x0, s16;
	[bflag:$0x0] =	sbarrier.arrive $0xFFFF  }
0x46: {  	[tilespmem:s19], [sflag:$0x2] =	stream.linear.gather [hbm4b:s25+s3], $0x50, $0x38;
	[tilespmem:$0x1BC80] =	vst v63  }
0x47: {  	_ =	swait.ge [sflag:s18], $0x50  }
0x48: {  	[sflag:s18] =	ssyncset.done $0x0  }
0x49: {  	[sflag:s18] =	ssyncadd.s32 $0xFFFFFFB0  }
0x4a: {  	[tilespmem:s21], [sflag:$0x1] =	stream.indirect.gather [hbm4b:s4+s20], $0x80, s31, s20, $0xb8;
	[tilespmem:$0x1BC80] =	vst v63  }
0x4b: {  	_ =	swait.ge [sflag:s22], $0x2800  }
0x4c: {  	[sflag:s22] =	ssyncset.done $0x0  }
0x4d: {  	[sflag:s22] =	ssyncadd.s32 $0xFFFFD800  }
0x4e: {  	[spmem:s2] =	stream.indirect.scatter.add.f32 [tilespmem:s21], [sflag:$0x2], $0x80, s19, s20, $0xb8;
	[tilespmem:$0x1BC80] =	vst v63  }
0x4f: {  	s26 =	simm.s32 $0x14;
	_ =	swait.ge [sflag:s18], $0x2800  }
0x50: {  	s24 =	simm.s32 $0x50;
	s25 =	simm.s32 $0xA;
	[sflag:s18] =	ssyncset.done $0x0  }
.LBB2_4:
0x51: {  	s28 =	sadd.s32 s25, s16  }
0x52: {  	[sflag:s18] =	ssyncadd.s32 $0xFFFFD800;
	s25 =	smov.u32 s26;
	s29 =	sadd.s32 $0xA, s26  }
0x53: {  	[tilespmem:s19], [sflag:$0x2] =	stream.linear.gather [hbm4b:s28+s3], $0x50, $0x38;
	[tilespmem:$0x1BC80] =	vst v63  }
0x54: {  	p1 =	sne.s32 s26, $0x4D8;
	_ =	swait.ge [sflag:s18], $0x50  }
0x55: {  	[sflag:s18] =	ssyncset.done $0x0  }
0x56: {  	[sflag:s18] =	ssyncadd.s32 $0xFFFFFFB0  }
0x57: {  	[tilespmem:s21], [sflag:$0x1] =	stream.indirect.gather [hbm4b:s4+s20], $0x80, s24, s20, $0xb8;
	[tilespmem:$0x1BC80] =	vst v63  }
0x58: {  	_ =	swait.ge [sflag:s22], $0x2800  }
.Ltmp1:
0x59: {  	[sflag:s22] =	ssyncset.done $0x0;
	(pc) =	sbr.rel @p1 .LBB2_4-.Ltmp1, $4  }
0x5a: {  	[sflag:s22] =	ssyncadd.s32 $0xFFFFD800  }
0x5b: {  	[spmem:s2] =	stream.indirect.scatter.add.f32 [tilespmem:s21], [sflag:$0x2], $0x80, s19, s20, $0xb8;
	[tilespmem:$0x1BC80] =	vst v63  }
0x5c: {  	_ =	swait.ge [sflag:s18], $0x2800  }
0x5d: {  	s26 =	smov.u32 s29;
	s24 =	sadd.s32 $0x50, s24;
	[sflag:s18] =	ssyncset.done $0x0  }
0x5e: {  	s25 =	sadd.s32 s25, s16;
	[sflag:s18] =	ssyncadd.s32 $0xFFFFD800  }
0x5f: {  	[tilespmem:s19], [sflag:$0x2] =	stream.linear.gather [hbm4b:s25+s3], $0x50, $0x38;
	[tilespmem:$0x1BC80] =	vst v63  }
0x60: {  	_ =	swait.ge [sflag:s18], $0x50  }
0x61: {  	[sflag:s18] =	ssyncset.done $0x0  }
0x62: {  	[sflag:s18] =	ssyncadd.s32 $0xFFFFFFB0  }
0x63: {  	[tilespmem:s21], [sflag:$0x1] =	stream.indirect.gather [hbm4b:s4+s20], $0x80, s24, s20, $0xb8;
	[tilespmem:$0x1BC80] =	vst v63  }
0x64: {  	_ =	swait.ge [sflag:s22], $0x2800  }
0x65: {  	[sflag:s22] =	ssyncset.done $0x0  }
0x66: {  	[sflag:s22] =	ssyncadd.s32 $0xFFFFD800  }
0x67: {  	[spmem:s2] =	stream.indirect.scatter.add.f32 [tilespmem:s21], [sflag:$0x2], $0x80, s19, s20, $0xb8;
	[tilespmem:$0x1BC80] =	vst v63  }
0x68: {  	_ =	swait.ge [sflag:s18], $0x2800  }
0x69: {  	[sflag:s18] =	ssyncset.done $0x0  }
0x6a: {  	s30 =	sshll.u32 s1, $0x6;
	[sflag:s18] =	ssyncadd.s32 $0xFFFFD800  }
0x6b: {  	s31 =	sshrl.u32 s7, $0x3;
	s24 =	sor.u32 $0x1C02, s30;
	[bflag:$0x0] =	sbarrier.arrive $0xFFFF  }
0x6c: {  	[hbm:s8], [sflag:s24] =	dma.local [spmem:s31], $0x2700  }
0x6d: {  	_ =	swait.ge [sflag:s18], $0x2700  }
0x6e: {  	s23 =	sadd.s32 $0x1, s23;
	[sflag:s18] =	ssyncset.done $0x0  }
0x6f: {  	s25 =	sshrl.u32 @!p0 s5, $0x3;
	p1 =	sne.s32 s23, s10;
	[sflag:s18] =	ssyncadd.s32 $0xFFFFD900  }
0x70: {  	[hbm:s9], [sflag:s24] =	dma.local @!p0 [spmem:s25], $0x100  }
.Ltmp2:
0x71: {  	_ = 	snop;
	(pc) =	sbr.rel @p1 .LBB2_1-.Ltmp2, $4  }
0x72: {  	s24 =	simm.s32 @!p0 $0x2  }
0x73: {  	_ =	swait.ge @!p0 [sflag:s24], $0x100  }
0x74: {  	[sflag:s24] =	ssyncset.done @!p0 $0x0  }
0x75: {  	[sflag:s24] =	ssyncadd.s32 @!p0 $0xFFFFFF00  }
0x76: {  	_ =	sfence.sel $0x180000  }
0x77: {  	[bflag:$0x0] =	sbarrier.arrive $0xFFFF  }
0x78: {  	p0 =	sne.s32 s1, $0x0;
	_ =	strace $0x9000004A  }
0x79: {  	s0 =	sadd.s32 @!p0 $0x100000, s0;
	[bflag:$0x2] =	sbarrier.arrive $0xFFFF  }
0x7a: {  	[sflag:s0] =	ssyncadd.tile.s32 @!p0 $0x1;
	_ =	shalt  }
.Lfunc_end2:
_tile_overlayer_lowered:
.L_overlay_start_2:
0x7b: {  	(tag) =	ssettag $0x2  }
0x7c: {  	s0 =	rddreg [dreg:$0x0];
	s2 =	stileid.u32  }
0x7d: {  	s1 =	rddreg [dreg:$0x1];
	p0 =	sne.s32 s2, $0x0  }
0x7e: {  	s3 =	rddreg [dreg:$0x2];
	[bflag:$0x3] =	sbarrier.arrive $0xFFFF;
	s2 =	simm.s32 @!p0 $0x1C02  }
0x7f: {  	[timem:s3], [sflag:s2] =	dma.local @!p0 [hbm:s0], s1  }
0x80: {  	s0 =	simm.s32 @!p0 $0x2  }
0x81: {  	_ =	swait.ge @!p0 [sflag:s0], s1  }
0x82: {  	s1 =	ssub.s32 @!p0 $0x0, s1;
	[sflag:s0] =	ssyncset.done @!p0 $0x0  }
0x83: {  	[sflag:s0] =	ssyncadd.s32 @!p0 s1  }
0x84: {  	[bflag:$0x3] =	sbarrier.arrive $0xFFFF  }
0x85: {  	_ =	shalt  }

// kernel: kernel.8.cloned.1.call-start
scs
__scs_entry_jumppad:
0x0: {  	(pc) =	sbr.rel $0x88, $3  }
0x1: {  	(tag) =	ssettag $0x0;
	lr =	simm.s32 $0x1  }
0x2: {  	[smem:$0x3F8E] =	sst lr;
	_ =	strace $0xD0000000  }
0x3: {  	_ = 	snop  }
0x4: {  	_ = 	snop  }
0x5: {  	_ = 	snop  }
0x6: {  	_ = 	snop  }
0x7: {  	_ = 	snop  }
__scs_overlays_trampoline_lowered:
0x8: {  	[smem:$0x3F9D] =	sst s0  }
0x9: {  	[smem:$0x3F9E] =	sst s1  }
0xa: {  	[smem:$0x3F9F] =	sst s2  }
0xb: {  	[smem:$0x3FA0] =	sst s3  }
0xc: {  	[smem:$0x3FA1] =	sst s4  }
0xd: {  	[smem:$0x3FA2] =	sst s5  }
0xe: {  	[smem:$0x3FA3] =	sst s6  }
0xf: {  	[smem:$0x3FA4] =	sst s7  }
0x10: {  	[smem:$0x3FA5] =	sst s8  }
0x11: {  	[smem:$0x3FA6] =	sst s9;
	s0 =	simm.s32 @!p0 $0x0  }
0x12: {  	s1 =	sld [smem:$0x3F8C];
	s0 =	simm.s32 @p0 $0x1  }
0x13: {  	[smem:$0x3FA7] =	sst s0;
	s0 =	simm.s32 @!p1 $0x0  }
0x14: {  	s2 =	sld [smem:$0x3F8B];
	s0 =	simm.s32 @p1 $0x1  }
0x15: {  	[smem:$0x3FA8] =	sst s0;
	s0 =	simm.s32 @!p2 $0x0  }
0x16: {  	s3 =	sld [smem:$0x3FDB];
	s0 =	simm.s32 @p2 $0x1  }
0x17: {  	s4 =	simm.s32 $0x1BF5;
	[smem:$0x3FAA] =	sst s0  }
0x18: {  	s0 =	sld [smem:$0x3F8D];
	_ =	swait.ge [sflag:s4], $0x0  }
0x19: {  	s7 =	sld [smem:$0x3F8E]  }
0x1a: {  	s8 =	sadd.s32 $0xFFFFE003, lr  }
0x1b: {  	s9 =	sadd.s32 $0xFFFFFEF7, lr;
	s5 =	simm.s32 $0xFFFFFFFF;
	p2 =	slt.u32 s8, $0xFFFFF086  }
0x1c: {  	p1 =	slt.u32 s9, $0xF7A;
	s5 =	simm.s32 @!p2 $0x0  }
0x1d: {  	s5 =	simm.s32 @p1 $0x1;
	p0 =	seq.s32 s7, s2  }
0x1e: {  	s7 =	smul.u32 @!p0 $0xF7A, s2;
	p2 =	seq.s32 @!p0 s5, $0x0  }
0x1f: {  	s9 =	smul.u32 $0xF7A, s1;
	s8 =	simm.s32 @!p0 $0x1BF5;
	p2 =	por !p2, p0  }
0x20: {  	[sflag:s8] =	ssyncset.s32 @!p0 $0xFFFFF086;
	s6 =	sadd.s32 @!p0 s3, s7;
	s7 =	simm.s32 @!p0 $0x108  }
0x21: {  	s3 =	sadd.s32 s3, s9;
	s6 =	sadd.s32 @!p0 $0x88, s6;
	s7 =	simm.s32 @p2 $0x1082  }
0x22: {  	[simem:s7], [sflag:s8] =	dma.local @!p0 [hbm:s6], $0xF7A  }
0x23: {  	s9 =	sor.u32 $0xD0000000, s2;
	s6 =	simm.s32 $0x108;
	_ =	swait.ge @!p0 [sflag:s8], $0x0  }
0x24: {  	s3 =	sadd.s32 $0x88, s3;
	s6 =	simm.s32 @!p1 $0x1082;
	[sflag:s4] =	ssyncset.s32 $0xFFFFF086  }
0x25: {  	[simem:s6], [sflag:s4] =	dma.local [hbm:s3], $0xF7A  }
0x26: {  	[smem:$0x3F8E] =	sst s1;
	(tag) =	ssettag s2;
	_ =	strace s9  }
0x27: {  	s1 =	sld [smem:$0x3F9E]  }
0x28: {  	s2 =	sld [smem:$0x3F9F]  }
0x29: {  	s4 =	sld [smem:$0x3FA1]  }
0x2a: {  	p0 =	seq.s32 s5, $0x0;
	s5 =	sld [smem:$0x3FA2]  }
0x2b: {  	s6 =	sld [smem:$0x3FA3]  }
0x2c: {  	s7 =	sld [smem:$0x3FA4]  }
0x2d: {  	s3 =	simm.s32 $0x108;
	s8 =	sld [smem:$0x3FA5]  }
0x2e: {  	s3 =	simm.s32 @!p0 $0x1082;
	s9 =	sld [smem:$0x3FA6]  }
0x2f: {  	lr =	sadd.s32 s0, s3;
	s0 =	sld [smem:$0x3F9D]  }
0x30: {  	s3 =	sld [smem:$0x3FA0]  }
0x31: {  	[smem:$0x3FA9] =	sst s10  }
0x32: {  	s10 =	sld [smem:$0x3FA7];
	_ =	sdelay $0x3  }
0x33: {  	p0 =	seq.s32 s10, $0x1;
	s10 =	sld [smem:$0x3FA9];
	_ =	sdelay $0x3  }
0x34: {  	[smem:$0x3FA9] =	sst s10  }
0x35: {  	s10 =	sld [smem:$0x3FA8];
	_ =	sdelay $0x3  }
0x36: {  	p1 =	seq.s32 s10, $0x1;
	s10 =	sld [smem:$0x3FA9];
	_ =	sdelay $0x3  }
0x37: {  	[smem:$0x3FA9] =	sst s10  }
0x38: {  	s10 =	sld [smem:$0x3FAA]  }
0x39: {  	_ = 	snop;
	(pc) =	sbr.ind lr, $3  }
0x3a: {  	_ = 	snop  }
0x3b: {  	_ = 	snop  }
0x3c: {  	p2 =	seq.s32 s10, $0x1;
	s10 =	sld [smem:$0x3FA9]  }
0x3d: {  	_ =	shalt  }
0x3e: {  	_ =	shalt  }
0x3f: {  	_ =	shalt  }
0x40: {  	_ =	shalt  }
0x41: {  	_ =	shalt  }
0x42: {  	_ =	shalt  }
0x43: {  	_ =	shalt  }
0x44: {  	_ =	shalt  }
0x45: {  	_ =	shalt  }
0x46: {  	_ =	shalt  }
0x47: {  	_ =	shalt  }
0x48: {  	_ =	shalt  }
0x49: {  	_ =	shalt  }
0x4a: {  	_ =	shalt  }
0x4b: {  	_ =	shalt  }
0x4c: {  	_ =	shalt  }
0x4d: {  	_ =	shalt  }
0x4e: {  	_ =	shalt  }
0x4f: {  	_ =	shalt  }
0x50: {  	_ =	shalt  }
0x51: {  	_ =	shalt  }
0x52: {  	_ =	shalt  }
0x53: {  	_ =	shalt  }
0x54: {  	_ =	shalt  }
0x55: {  	_ =	shalt  }
0x56: {  	_ =	shalt  }
0x57: {  	_ =	shalt  }
0x58: {  	_ =	shalt  }
0x59: {  	_ =	shalt  }
0x5a: {  	_ =	shalt  }
0x5b: {  	_ =	shalt  }
0x5c: {  	_ =	shalt  }
0x5d: {  	_ =	shalt  }
0x5e: {  	_ =	shalt  }
0x5f: {  	_ =	shalt  }
0x60: {  	_ =	shalt  }
0x61: {  	_ =	shalt  }
0x62: {  	_ =	shalt  }
0x63: {  	_ =	shalt  }
0x64: {  	_ =	shalt  }
0x65: {  	_ =	shalt  }
0x66: {  	_ =	shalt  }
0x67: {  	_ =	shalt  }
0x68: {  	_ =	shalt  }
0x69: {  	_ =	shalt  }
0x6a: {  	_ =	shalt  }
0x6b: {  	_ =	shalt  }
0x6c: {  	_ =	shalt  }
0x6d: {  	_ =	shalt  }
0x6e: {  	_ =	shalt  }
0x6f: {  	_ =	shalt  }
0x70: {  	_ =	shalt  }
0x71: {  	_ =	shalt  }
0x72: {  	_ =	shalt  }
0x73: {  	_ =	shalt  }
0x74: {  	_ =	shalt  }
0x75: {  	_ =	shalt  }
0x76: {  	_ =	shalt  }
0x77: {  	_ =	shalt  }
0x78: {  	_ =	shalt  }
0x79: {  	_ =	shalt  }
0x7a: {  	_ =	shalt  }
0x7b: {  	_ =	shalt  }
0x7c: {  	_ =	shalt  }
0x7d: {  	_ =	shalt  }
0x7e: {  	_ =	shalt  }
0x7f: {  	_ =	shalt  }
0x80: {  	_ =	shalt  }
0x81: {  	_ =	shalt  }
0x82: {  	_ =	shalt  }
0x83: {  	_ =	shalt  }
0x84: {  	_ =	shalt  }
0x85: {  	_ =	shalt  }
0x86: {  	_ =	shalt  }
0x87: {  	_ =	shalt  }
.Lfunc_end0:
.L_simem_size_0:
called_computation_lowered:
.L_overlay_start_0:
0x88: {  	s2 =	sld [smem:$0x3FD9]  }
0x89: {  	s3 =	sld [smem:$0x3FFE];
	_ =	sdelay $0x1  }
0x8a: {  	s1 =	srdreg.scid  }
0x8b: {  	s0 =	sand.u32 $0x1, s1  }
0x8c: {  	s17 =	sshll.u32 s0, $0xA;
	s2 =	sadd.s32 s3, s2  }
0x8d: {  	s2 =	sadd.s32 s2, s17  }
0x8e: {  	[smem:$0x3FB5] =	sst s2  }
0x8f: {  	_ = 	snop  }
0x90: {  	s2 =	sld [smem:$0x3FC9]  }
0x91: {  	s18 =	sld [smem:$0x3FD0];
	(tm) =	ssettm $0x1  }
0x92: {  	s4 =	sld [smem:$0x3FFB];
	_ =	sdelay $0x3  }
0x93: {  	_ =	strace s4  }
0x94: {  	s4 =	sld [smem:$0x3FFC];
	_ =	sdelay $0x3  }
0x95: {  	_ =	strace s4  }
0x96: {  	s4 =	sld [smem:$0x3FFD];
	_ =	sdelay $0x3  }
0x97: {  	_ =	strace s4  }
0x98: {  	_ =	strace $0x8FFFFFFF  }
0x99: {  	s19 =	sld [smem:$0x3FDB];
	_ =	sdelay $0x1  }
0x9a: {  	s5 =	simm.s32 $_scs_section_size  }
0x9b: {  	s6 =	simm.s32 $_size__tile_overlayer_lowered;
	s7 =	simm.s32 $_tile_overlayer_lowered  }
0x9c: {  	s22 =	simm.s32 $0x1BFF;
	s21 =	sshll.u32 s7, $0x1;
	s4 =	sadd.s32 s5, s19  }
0x9d: {  	s8 =	simm.s32 $0x0;
	s20 =	sshll.u32 s6, $0x1;
	s6 =	sadd.s32 s21, s4  }
0x9e: {  	[timem:s8], [sflag:s22] =	dma.local [hbm:s6], s20  }
0x9f: {  	_ =	swait.ge [sflag:s22], s20  }
0xa0: {  	s5 =	ssub.s32 $0x0, s20;
	[sflag:s22] =	ssyncset.done $0x0  }
0xa1: {  	[sflag:s22] =	ssyncadd.s32 s5;
	_ =	sdelay $0x1  }
0xa2: {  	s23 =	simm.s32 $0x1B8B  }
0xa3: {  	_ =	swait.ge [sflag:s23], $0x1  }
0xa4: {  	[sflag:s23] =	ssyncset.done $0x0  }
0xa5: {  	s25 =	simm.s32 $0x1B8E;
	s24 =	sld [smem:$0x3FFE];
	[sflag:s23] =	ssyncadd.s32 $0xFFFFFFFF  }
0xa6: {  	s26 =	simm.s32 $execute0_lowered;
	[smem:$0x3FD2] =	sst s25  }
0xa7: {  	s6 =	sshll.u32 s26, $0x1;
	_ =	strace $0x80000046;
	[dreg:$0x1] =	wrdreg $0xFFFFFFFF  }
0xa8: {  	s28 =	simm.s32 $_size_execute0_lowered;
	s4 =	sadd.s32 s4, s6;
	[dreg:$0x0] =	wrdreg $0x0  }
0xa9: {  	s6 =	sshll.u32 s28, $0x1;
	[dreg:$0x2] =	wrdreg s4  }
0xaa: {  	[dreg:$0x3] =	wrdreg s6  }
0xab: {  	[dreg:$0x4] =	wrdreg $0xC0  }
0xac: {  	_ =	task [dreg:s8], $0x5FFFF  }
0xad: {  	[dreg:$0x1] =	wrdreg $0xFFFFFFFF  }
0xae: {  	[dreg:$0x0] =	wrdreg $0x60  }
0xaf: {  	[dreg:$0x2] =	wrdreg s2  }
0xb0: {  	[dreg:$0x3] =	wrdreg s24  }
0xb1: {  	[dreg:$0x4] =	wrdreg s18  }
0xb2: {  	[dreg:$0x5] =	wrdreg $0x84000  }
0xb3: {  	[dreg:$0x6] =	wrdreg $0x9  }
0xb4: {  	_ =	task.clear_ibuf [dreg:s8], $0x7FFFF;
	_ =	strace $0x90000046  }
0xb5: {  	s29 =	simm.s32 $0x9;
	_ =	strace $0x80000048  }
0xb6: {  	_ =	swait.ge [sflag:s29], $0x1  }
0xb7: {  	[sflag:s29] =	ssyncadd.s32 $0xFFFFFFFF  }
0xb8: {  	_ =	strace $0x90000048  }
0xb9: {  	_ =	sfence  }
0xba: {  	s30 =	sld [smem:$0x0];
	_ =	sdelay $0x2  }
0xbb: {  	s31 =	sshll.u32 s1, $0xD;
	s1 =	sshrl.u32 s1, $0x2  }
0xbc: {  	s3 =	sand.u32 $0x4000, s31;
	s1 =	sadd.s32 s1, s30  }
0xbd: {  	s0 =	sor.u32 s3, s0;
	s1 =	sshll.u32 s1, $0x11  }
0xbe: {  	s0 =	sor.u32 s1, s0  }
0xbf: {  	s0 =	sadd.s32 $0x8F2B, s0  }
0xc0: {  	[sflag:s0] =	ssyncadd.remote.s32 $0x1  }
0xc1: {  	_ =	sfence.sel $0xFFFF  }
0xc2: {  	[dreg:$0x0] =	wrdreg $0xFFFFFFFF;
	(pc) =	sbr.abs _section_cstart, $3  }
0xc3: {  	[dreg:$0x1] =	wrdreg $0xFFFFFFFF  }
0xc4: {  	_ =	task.clear_ibuf [dreg:s8], $0x2FFFF;
	_ =	strace $0x9FFFFFFF  }
0xc5: {  	(tm) =	ssettm $0x7FFFFFFF  }
tec
execute0_lowered:
.L_overlay_start_1:
0x0: {  	(tag) =	ssettag $0x1  }
0x1: {  	s0 =	rddreg [dreg:$0x0]  }
0x2: {  	s5 =	rddreg [dreg:$0x1]  }
0x3: {  	s1 =	srdreg.scid;
	s16 =	rddreg [dreg:$0x2]  }
0x4: {  	s3 =	rddreg [dreg:$0x3];
	s2 =	stileid.u32  }
0x5: {  	s4 =	simm.s32 $0x0;
	s18 =	simm.s32 $0x2;
	s19 =	simm.s32 $0x2780  }
0x6: {  	s20 =	simm.s32 $0x50;
	s21 =	simm.s32 $0x2800;
	s22 =	simm.s32 $0x1  }
0x7: {  	s6 =	sand.u32 $0x1, s1;
	s1 =	rddreg [dreg:$0x4];
	s8 =	smul.u32 $0x4E000, s2  }
0x8: {  	s23 =	simm.s32 $0x0;
	[smem:$0x7FF] =	sst s4;
	s11 =	smul.u32 $0x2700, s2  }
0x9: {  	s12 =	sadd.s32 $0xD600, s5;
	s15 =	smul.u32 $0x2710, s2;
	p0 =	sne.s32 s2, $0xF  }
0xa: {  	s7 =	sshll.u32 s6, $0x4;
	_ =	strace $0x80000047;
	s14 =	smul.u32 $0x27100, s6  }
0xb: {  	s9 =	ssub.s32 $0x2, s6;
	s29 =	smul.u32 $0x138800, s6;
	s7 =	sor.u32 s2, s7  }
0xc: {  	s10 =	sshrl.u32 s9, $0x1;
	s30 =	sshrl.u32 s8, $0x2;
	s7 =	smul.u32 $0x2710, s7  }
0xd: {  	s10 =	ssub.s32 s9, s10;
	s31 =	sadd.s32 s11, s14;
	s9 =	sshrl.u32 s29, $0x3  }
0xe: {  	s17 =	sadd.s32 s15, s14;
	s8 =	sadd.s32 s12, s31;
	s9 =	sadd.s32 s12, s9  }
0xf: {  	s10 =	smax.u32 s10, $0x1;
	s17 =	sshrl.u32 s17, $0x3;
	s7 =	sshrl.u32 s7, $0x3  }
0x10: {  	s9 =	sadd.s32 $0x27000, s9;
	s16 =	sadd.s32 s17, s16;
	s7 =	sadd.s32 s7, s5  }
0x11: {  	s17 =	simm.s32 $0x5000;
	s6 =	sadd.s32 $0x3800, s7;
	s7 =	sadd.s32 s30, s3  }
0x12: {  	s5 =	sadd.s32 $0x138000, s3;
	s11 =	sadd.s32 $0x3400, s7;
	s12 =	sadd.s32 $0x6800, s7  }
0x13: {  	v0 =	vimm.f32 $0.0e+00;
	s13 =	sadd.s32 $0x9C00, s7;
	s14 =	sadd.s32 $0xD000, s7;
	s15 =	sadd.s32 $0x10400, s7  }
.LBB2_1:
0x14: {  	s24 =	simm.s32 $0x0;
	s25 =	simm.s32 $0x200  }
.LBB2_2:
0x15: {  	p1 =	sne.s32 s25, $0xCE00;
	[tilespmem:s24+$0x5070] =	vst v0  }
0x16: {  	[tilespmem:s24+$0x5000] =	vst v0  }
0x17: {  	[tilespmem:s24+$0x5010] =	vst v0  }
.Ltmp0:
0x18: {  	[tilespmem:s24+$0x5020] =	vst v0;
	(pc) =	sbr.rel @p1 .LBB2_2-.Ltmp0, $4  }
0x19: {  	[tilespmem:s24+$0x5030] =	vst v0  }
0x1a: {  	[tilespmem:s24+$0x5040] =	vst v0  }
0x1b: {  	[tilespmem:s24+$0x5050] =	vst v0  }
0x1c: {  	[tilespmem:s24+$0x5060] =	vst v0;
	s24 =	sshra.s32 s25, $0x2;
	s25 =	sadd.s32 $0x200, s25  }
0x1d: {  	[tilespmem:s24+$0x5070] =	vst v0  }
0x1e: {  	[tilespmem:s24+$0x5000] =	vst v0  }
0x1f: {  	[tilespmem:s24+$0x5010] =	vst v0  }
0x20: {  	[tilespmem:s24+$0x5020] =	vst v0  }
0x21: {  	[tilespmem:s24+$0x5030] =	vst v0  }
0x22: {  	[tilespmem:s24+$0x5040] =	vst v0  }
0x23: {  	[tilespmem:s24+$0x5050] =	vst v0  }
0x24: {  	[tilespmem:s24+$0x5060] =	vst v0  }
0x25: {  	[spmem:s7] =	stream.linear.scatter [tilespmem:s17], [sflag:$0x2], $0x3400, $0x38;
	[tilespmem:$0x1BC80] =	vst v63  }
0x26: {  	_ =	swait.ge [sflag:s18], $0x3400  }
0x27: {  	[sflag:s18] =	ssyncset.done $0x0  }
0x28: {  	[sflag:s18] =	ssyncadd.s32 $0xFFFFCC00  }
0x29: {  	[spmem:s11] =	stream.linear.scatter [tilespmem:s17], [sflag:$0x2], $0x3400, $0x38;
	[tilespmem:$0x1BC80] =	vst v63  }
0x2a: {  	_ =	swait.ge [sflag:s18], $0x3400  }
0x2b: {  	[sflag:s18] =	ssyncset.done $0x0  }
0x2c: {  	[sflag:s18] =	ssyncadd.s32 $0xFFFFCC00  }
0x2d: {  	[spmem:s12] =	stream.linear.scatter [tilespmem:s17], [sflag:$0x2], $0x3400, $0x38;
	[tilespmem:$0x1BC80] =	vst v63  }
0x2e: {  	_ =	swait.ge [sflag:s18], $0x3400  }
0x2f: {  	[sflag:s18] =	ssyncset.done $0x0  }
0x30: {  	[sflag:s18] =	ssyncadd.s32 $0xFFFFCC00  }
0x31: {  	[spmem:s13] =	stream.linear.scatter [tilespmem:s17], [sflag:$0x2], $0x3400, $0x38;
	[tilespmem:$0x1BC80] =	vst v63  }
0x32: {  	_ =	swait.ge [sflag:s18], $0x3400  }
0x33: {  	[sflag:s18] =	ssyncset.done $0x0  }
0x34: {  	[sflag:s18] =	ssyncadd.s32 $0xFFFFCC00  }
0x35: {  	[spmem:s14] =	stream.linear.scatter [tilespmem:s17], [sflag:$0x2], $0x3400, $0x38;
	[tilespmem:$0x1BC80] =	vst v63  }
0x36: {  	_ =	swait.ge [sflag:s18], $0x3400  }
0x37: {  	[sflag:s18] =	ssyncset.done $0x0  }
0x38: {  	[sflag:s18] =	ssyncadd.s32 $0xFFFFCC00  }
0x39: {  	[spmem:s15] =	stream.linear.scatter [tilespmem:s17], [sflag:$0x2], $0x3400, $0x38;
	[tilespmem:$0x1BC80] =	vst v63  }
0x3a: {  	_ =	swait.ge [sflag:s18], $0x3400  }
0x3b: {  	[sflag:s18] =	ssyncset.done $0x0  }
0x3c: {  	s24 =	simm.s32 @!p0 $0x5000;
	[sflag:s18] =	ssyncadd.s32 $0xFFFFCC00  }
0x3d: {  	[spmem:s5] =	stream.linear.scatter @!p0 [tilespmem:s24], [sflag:$0x2], $0x800, $0x38;
	[tilespmem:$0x1BC80] =	vst v63  }
0x3e: {  	s24 =	simm.s32 @!p0 $0x2  }
0x3f: {  	_ =	swait.ge @!p0 [sflag:s24], $0x800  }
0x40: {  	[sflag:s24] =	ssyncset.done @!p0 $0x0  }
0x41: {  	s31 =	simm.s32 $0x0;
	[sflag:s24] =	ssyncadd.s32 @!p0 $0xFFFFF800  }
0x42: {  	[tilespmem:s31], [sflag:$0x2] =	stream.linear.gather [hbm4b:s6+s31], $0x2710, $0x38;
	[tilespmem:$0x1BC80] =	vst v63  }
0x43: {  	_ =	swait.ge [sflag:s18], $0x2710  }
0x44: {  	[sflag:s18] =	ssyncset.done $0x0  }
0x45: {  	[sflag:s18] =	ssyncadd.s32 $0xFFFFD8F0  }
0x46: {  	s25 =	sadd.s32 $0x0, s16;
	[bflag:$0x0] =	sbarrier.arrive $0xFFFF  }
0x47: {  	[tilespmem:s19], [sflag:$0x2] =	stream.linear.gather [hbm4b:s25+s4], $0x50, $0x38;
	[tilespmem:$0x1BC80] =	vst v63  }
0x48: {  	_ =	swait.ge [sflag:s18], $0x50  }
0x49: {  	[sflag:s18] =	ssyncset.done $0x0  }
0x4a: {  	[sflag:s18] =	ssyncadd.s32 $0xFFFFFFB0  }
0x4b: {  	[tilespmem:s21], [sflag:$0x1] =	stream.indirect.gather [hbm4b:s0+s20], $0x80, s31, s20, $0xb8;
	[tilespmem:$0x1BC80] =	vst v63  }
0x4c: {  	_ =	swait.ge [sflag:s22], $0x2800  }
0x4d: {  	[sflag:s22] =	ssyncset.done $0x0  }
0x4e: {  	[sflag:s22] =	ssyncadd.s32 $0xFFFFD800  }
0x4f: {  	[spmem:s3] =	stream.indirect.scatter.add.f32 [tilespmem:s21], [sflag:$0x2], $0x80, s19, s20, $0xb8;
	[tilespmem:$0x1BC80] =	vst v63  }
0x50: {  	s26 =	simm.s32 $0x14;
	_ =	swait.ge [sflag:s18], $0x2800  }
0x51: {  	s24 =	simm.s32 $0x50;
	s25 =	simm.s32 $0xA;
	[sflag:s18] =	ssyncset.done $0x0  }
.LBB2_4:
0x52: {  	s28 =	sadd.s32 s25, s16  }
0x53: {  	[sflag:s18] =	ssyncadd.s32 $0xFFFFD800;
	s25 =	smov.u32 s26;
	s29 =	sadd.s32 $0xA, s26  }
0x54: {  	[tilespmem:s19], [sflag:$0x2] =	stream.linear.gather [hbm4b:s28+s4], $0x50, $0x38;
	[tilespmem:$0x1BC80] =	vst v63  }
0x55: {  	p1 =	sne.s32 s26, $0x4D8;
	_ =	swait.ge [sflag:s18], $0x50  }
0x56: {  	[sflag:s18] =	ssyncset.done $0x0  }
0x57: {  	[sflag:s18] =	ssyncadd.s32 $0xFFFFFFB0  }
0x58: {  	[tilespmem:s21], [sflag:$0x1] =	stream.indirect.gather [hbm4b:s0+s20], $0x80, s24, s20, $0xb8;
	[tilespmem:$0x1BC80] =	vst v63  }
0x59: {  	_ =	swait.ge [sflag:s22], $0x2800  }
.Ltmp1:
0x5a: {  	[sflag:s22] =	ssyncset.done $0x0;
	(pc) =	sbr.rel @p1 .LBB2_4-.Ltmp1, $4  }
0x5b: {  	[sflag:s22] =	ssyncadd.s32 $0xFFFFD800  }
0x5c: {  	[spmem:s3] =	stream.indirect.scatter.add.f32 [tilespmem:s21], [sflag:$0x2], $0x80, s19, s20, $0xb8;
	[tilespmem:$0x1BC80] =	vst v63  }
0x5d: {  	_ =	swait.ge [sflag:s18], $0x2800  }
0x5e: {  	s26 =	smov.u32 s29;
	s24 =	sadd.s32 $0x50, s24;
	[sflag:s18] =	ssyncset.done $0x0  }
0x5f: {  	s25 =	sadd.s32 s25, s16;
	[sflag:s18] =	ssyncadd.s32 $0xFFFFD800  }
0x60: {  	[tilespmem:s19], [sflag:$0x2] =	stream.linear.gather [hbm4b:s25+s4], $0x50, $0x38;
	[tilespmem:$0x1BC80] =	vst v63  }
0x61: {  	_ =	swait.ge [sflag:s18], $0x50  }
0x62: {  	[sflag:s18] =	ssyncset.done $0x0  }
0x63: {  	[sflag:s18] =	ssyncadd.s32 $0xFFFFFFB0  }
0x64: {  	[tilespmem:s21], [sflag:$0x1] =	stream.indirect.gather [hbm4b:s0+s20], $0x80, s24, s20, $0xb8;
	[tilespmem:$0x1BC80] =	vst v63  }
0x65: {  	_ =	swait.ge [sflag:s22], $0x2800  }
0x66: {  	[sflag:s22] =	ssyncset.done $0x0  }
0x67: {  	[sflag:s22] =	ssyncadd.s32 $0xFFFFD800  }
0x68: {  	[spmem:s3] =	stream.indirect.scatter.add.f32 [tilespmem:s21], [sflag:$0x2], $0x80, s19, s20, $0xb8;
	[tilespmem:$0x1BC80] =	vst v63  }
0x69: {  	_ =	swait.ge [sflag:s18], $0x2800  }
0x6a: {  	[sflag:s18] =	ssyncset.done $0x0  }
0x6b: {  	s30 =	sshll.u32 s2, $0x6;
	[sflag:s18] =	ssyncadd.s32 $0xFFFFD800  }
0x6c: {  	s31 =	sshrl.u32 s7, $0x3;
	s24 =	sor.u32 $0x1C02, s30;
	[bflag:$0x0] =	sbarrier.arrive $0xFFFF  }
0x6d: {  	[hbm:s8], [sflag:s24] =	dma.local [spmem:s31], $0x2700  }
0x6e: {  	_ =	swait.ge [sflag:s18], $0x2700  }
0x6f: {  	s23 =	sadd.s32 $0x1, s23;
	[sflag:s18] =	ssyncset.done $0x0  }
0x70: {  	s25 =	sshrl.u32 @!p0 s5, $0x3;
	p1 =	sne.s32 s23, s10;
	[sflag:s18] =	ssyncadd.s32 $0xFFFFD900  }
0x71: {  	[hbm:s9], [sflag:s24] =	dma.local @!p0 [spmem:s25], $0x100  }
.Ltmp2:
0x72: {  	_ = 	snop;
	(pc) =	sbr.rel @p1 .LBB2_1-.Ltmp2, $4  }
0x73: {  	s24 =	simm.s32 @!p0 $0x2  }
0x74: {  	_ =	swait.ge @!p0 [sflag:s24], $0x100  }
0x75: {  	[sflag:s24] =	ssyncset.done @!p0 $0x0  }
0x76: {  	[sflag:s24] =	ssyncadd.s32 @!p0 $0xFFFFFF00  }
0x77: {  	_ =	sfence.sel $0x180000  }
0x78: {  	[bflag:$0x0] =	sbarrier.arrive $0xFFFF  }
0x79: {  	p0 =	sne.s32 s2, $0x0;
	_ =	strace $0x90000047  }
0x7a: {  	s0 =	sadd.s32 @!p0 $0x100000, s1;
	[bflag:$0x2] =	sbarrier.arrive $0xFFFF  }
0x7b: {  	[sflag:s0] =	ssyncadd.tile.s32 @!p0 $0x1;
	_ =	shalt  }
.Lfunc_end2:
_tile_overlayer_lowered:
.L_overlay_start_2:
0x7c: {  	(tag) =	ssettag $0x2  }
0x7d: {  	s0 =	rddreg [dreg:$0x0];
	s2 =	stileid.u32  }
0x7e: {  	s1 =	rddreg [dreg:$0x1];
	p0 =	sne.s32 s2, $0x0  }
0x7f: {  	s3 =	rddreg [dreg:$0x2];
	[bflag:$0x3] =	sbarrier.arrive $0xFFFF;
	s2 =	simm.s32 @!p0 $0x1C02  }
0x80: {  	[timem:s3], [sflag:s2] =	dma.local @!p0 [hbm:s0], s1  }
0x81: {  	s0 =	simm.s32 @!p0 $0x2  }
0x82: {  	_ =	swait.ge @!p0 [sflag:s0], s1  }
0x83: {  	s1 =	ssub.s32 @!p0 $0x0, s1;
	[sflag:s0] =	ssyncset.done @!p0 $0x0  }
0x84: {  	[sflag:s0] =	ssyncadd.s32 @!p0 s1  }
0x85: {  	[bflag:$0x3] =	sbarrier.arrive $0xFFFF  }
0x86: {  	_ =	shalt  }

</sc_bundles>
